<compile_context>
chip_gen: v7x
topology: tpu7x:2x2x1
jax: 0.10.2.dev20260603
libtpu: 0.0.44.dev20260713+nightly
codegen_flags: <defaults>
</compile_context>

<pallas_src>
import functools

import jax
import jax.numpy as jnp
from jax import lax
from jax.experimental import pallas as pl
from jax.experimental.pallas import tpu as pltpu
from jax.experimental.pallas import tpu_sc as plsc

_N = 10000
_E = 320000
_D = 128
_OUT = 128
_EPS = 1e-5

_NC = 2
_NS = 16
_NP = 10240
_RPT = _NP // _NS
_CH = 128
_NCH = 160
_NBUF = 5
_G = 20
_HALF = _D // _NC
_EPT = _NCH * _CH
_EP = _EPT * _NS

_mesh = plsc.VectorSubcoreMesh(
    core_axis_name="c", subcore_axis_name="s", num_cores=_NC, num_subcores=_NS
)


_DW = 16


@functools.partial(
    pl.kernel,
    out_type=jax.ShapeDtypeStruct((_NC, _NP, _DW), jnp.float32),
    mesh=_mesh,
    scratch_types=[
        pltpu.VMEM((_NCH, _CH), jnp.int32),
        pltpu.VMEM((_CH, _DW), jnp.float32),
        pltpu.VMEM_SHARED((_NP, _DW), jnp.float32),
        pltpu.SemaphoreType.DMA,
    ],
    compiler_params=pltpu.CompilerParams(use_tc_tiling_on_sc=False),
)
def _deg_kernel(idx_hbm, ones_hbm, zeros_hbm, out_hbm, idx_v, ones_v, deg_sp,
                dsem):
    c = lax.axis_index("c")
    s = lax.axis_index("s")
    pltpu.sync_copy(ones_hbm, ones_v)
    pltpu.sync_copy(zeros_hbm, deg_sp.at[pl.ds(s * _RPT, _RPT)])
    pltpu.sync_copy(idx_hbm.at[c, s], idx_v)
    plsc.subcore_barrier()
    def body(j, carry):
        pltpu.async_copy(ones_v, deg_sp.at[idx_v.at[j]], dsem, add=True)
        return carry
    lax.fori_loop(0, _NCH, body, 0)
    def drain(j, carry):
        pltpu.make_async_copy(ones_v, deg_sp.at[idx_v.at[0]], dsem).wait()
        return carry
    lax.fori_loop(0, _NCH, drain, 0)
    plsc.subcore_barrier()
    pltpu.sync_copy(
        deg_sp.at[pl.ds(s * _RPT, _RPT)], out_hbm.at[c, pl.ds(s * _RPT, _RPT)]
    )


@functools.partial(
    pl.kernel,
    out_type=jax.ShapeDtypeStruct((_NC, _NP, _HALF), jnp.float32),
    mesh=_mesh,
    scratch_types=[
        pltpu.VMEM((_G, _CH), jnp.int32),
        pltpu.VMEM((_G, _CH), jnp.int32),
        [pltpu.VMEM((_CH, _HALF), jnp.float32) for _ in range(_NBUF)],
        pltpu.VMEM_SHARED((_NP, _HALF), jnp.float32),
        pltpu.VMEM_SHARED((_NP, _HALF), jnp.float32),
        pltpu.SemaphoreType.DMA,
        pltpu.SemaphoreType.DMA,
    ],
    compiler_params=pltpu.CompilerParams(use_tc_tiling_on_sc=False),
)
def _edge_kernel(hs_hbm, idx_hbm, zeros_hbm, out_hbm,
                 src_v, dst_v, bufs, hs_sp, acc_sp, gsem, ssem):
    c = lax.axis_index("c")
    s = lax.axis_index("s")
    r0 = s * _RPT
    pltpu.sync_copy(zeros_hbm, acc_sp.at[pl.ds(r0, _RPT)])
    pltpu.sync_copy(hs_hbm.at[c, pl.ds(r0, _RPT)], hs_sp.at[pl.ds(r0, _RPT)])
    plsc.subcore_barrier()
    def group(g, carry):
        pltpu.sync_copy(idx_hbm.at[0, s, pl.ds(g * _G, _G)], src_v)
        pltpu.sync_copy(idx_hbm.at[1, s, pl.ds(g * _G, _G)], dst_v)
        def round_(r, carry2):
            base = r * _NBUF
            def fire(b):
                pltpu.async_copy(hs_sp.at[src_v.at[base + b]], bufs[b], gsem)
            @pl.when(r > 0)
            def _():
                for b in range(_NBUF):
                    pltpu.make_async_copy(
                        bufs[b], acc_sp.at[dst_v.at[b]], ssem
                    ).wait()
                    fire(b)
            @pl.when(r == 0)
            def _():
                for b in range(_NBUF):
                    fire(b)
            for b in range(_NBUF):
                pltpu.make_async_copy(
                    hs_sp.at[src_v.at[base + b]], bufs[b], gsem
                ).wait()
                pltpu.async_copy(
                    bufs[b], acc_sp.at[dst_v.at[base + b]], ssem, add=True
                )
            return carry2
        carry = lax.fori_loop(0, _G // _NBUF, round_, carry)
        for b in range(_NBUF):
            pltpu.make_async_copy(
                bufs[b], acc_sp.at[dst_v.at[b]], ssem
            ).wait()
        return carry
    lax.fori_loop(0, _NCH // _G, group, 0)
    plsc.subcore_barrier()
    pltpu.sync_copy(
        acc_sp.at[pl.ds(r0, _RPT)],
        out_hbm.at[c, pl.ds(r0, _RPT)],
    )


_BLK1 = 1024


def _ln_body(x_ref, g_ref, b_ref, h_ref):
    xb = x_ref[...]
    mu = jnp.mean(xb, axis=-1, keepdims=True)
    xc = xb - mu
    var = jnp.mean(xc * xc, axis=-1, keepdims=True)
    h_ref[...] = xc * lax.rsqrt(var + _EPS) * g_ref[...] + b_ref[...]


_ln_call = pl.pallas_call(
    _ln_body,
    grid=(_NP // _BLK1,),
    in_specs=[
        pl.BlockSpec((_BLK1, _D), lambda i: (i, 0)),
        pl.BlockSpec((1, _D), lambda i: (0, 0)),
        pl.BlockSpec((1, _D), lambda i: (0, 0)),
    ],
    out_specs=pl.BlockSpec((_BLK1, _D), lambda i: (i, 0)),
    out_shape=jax.ShapeDtypeStruct((_NP, _D), jnp.float32),
)


def _hs_body(h_ref, deg_ref, hs_ref):
    ns = lax.rsqrt(jnp.maximum(deg_ref[0, :, :1], 1.0))
    rows = lax.broadcasted_iota(jnp.int32, (_BLK1, 1), 0) + pl.program_id(0) * _BLK1
    hs = jnp.where(rows < _N, h_ref[...] * ns, 0.0)
    hs_ref[...] = jnp.stack([hs[:, :_HALF], hs[:, _HALF:]], axis=0)


_hs_call = pl.pallas_call(
    _hs_body,
    grid=(_NP // _BLK1,),
    in_specs=[
        pl.BlockSpec((_BLK1, _D), lambda i: (i, 0)),
        pl.BlockSpec((1, _BLK1, _DW), lambda i: (0, i, 0)),
    ],
    out_specs=pl.BlockSpec((_NC, _BLK1, _HALF), lambda i: (0, i, 0)),
    out_shape=jax.ShapeDtypeStruct((_NC, _NP, _HALF), jnp.float32),
)


_BLK2 = 2000


def _ffn_body(h_ref, acc0_ref, acc1_ref, deg_ref, w_ref, b_ref, o_ref):
    nd = lax.rsqrt(jnp.maximum(deg_ref[0, :, :1], 1.0))
    msg = jnp.concatenate([acc0_ref[...], acc1_ref[...]], axis=1) * nd
    w = w_ref[...]
    dn = (((1,), (1,)), ((), ()))
    o = lax.dot_general(h_ref[...], w[:, :_D], dn, preferred_element_type=jnp.float32)
    o = o + lax.dot_general(msg, w[:, _D:], dn, preferred_element_type=jnp.float32)
    o_ref[...] = o + b_ref[...]


_ffn_call = pl.pallas_call(
    _ffn_body,
    grid=(_N // _BLK2,),
    in_specs=[
        pl.BlockSpec((_BLK2, _D), lambda i: (i, 0)),
        pl.BlockSpec((_BLK2, _HALF), lambda i: (i, 0)),
        pl.BlockSpec((_BLK2, _HALF), lambda i: (i, 0)),
        pl.BlockSpec((1, _BLK2, _DW), lambda i: (1, i, 0)),
        pl.BlockSpec((_OUT, 2 * _D), lambda i: (0, 0)),
        pl.BlockSpec((1, _OUT), lambda i: (0, 0)),
    ],
    out_specs=pl.BlockSpec((_BLK2, _OUT), lambda i: (i, 0)),
    out_shape=jax.ShapeDtypeStruct((_N, _OUT), jnp.float32),
)


def kernel(x, edge_index, gamma, beta, W, b):
    x_pad = jnp.concatenate(
        [x, jnp.zeros((_NP - _N, _D), jnp.float32)], axis=0
    )
    pad = jnp.full((2, _EP - _E), _NP - 1, jnp.int32)
    ei = jnp.concatenate([edge_index, pad], axis=1).reshape(2, _NS, _NCH, _CH)
    deg = _deg_kernel(
        ei,
        jnp.ones((_CH, _DW), jnp.float32),
        jnp.zeros((_RPT, _DW), jnp.float32),
    )
    h = _ln_call(x_pad, gamma.reshape(1, _D), beta.reshape(1, _D))
    hs = _hs_call(h, deg)
    zeros_tile = jnp.zeros((_RPT, _HALF), jnp.float32)
    acc = _edge_kernel(hs, ei, zeros_tile)
    out = _ffn_call(
        h[:_N], acc[0, :_N], acc[1, :_N], deg, W, b.reshape(1, _OUT),
    )
    return out

# --- scband reference (transcript-rebuilt; emitter-appended) ---
"""Pipeline reference for scband-gcnsep-module-10359461118094 (READ-ONLY COPY).

The authoritative reference and input builder live on the scoring server;
editing this copy changes nothing except your own understanding.
"""

import jax, jax.numpy as jnp
import numpy as np

N = 10000
E = 320000
D = 128
OUT = 128
EPS = 1e-5

def setup_inputs(seed: int = 0) -> dict:
    key = jax.random.key(seed)
    k1, k2, k3, k4, k5, k6 = jax.random.split(key, 6)
    x = jax.random.normal(k1, (N, D), dtype=jnp.float32)
    edge_index = jax.random.randint(k2, (2, E), 0, N, dtype=jnp.int32)
    gamma = jnp.ones((D,), dtype=jnp.float32)
    beta = jnp.zeros((D,), dtype=jnp.float32)
    W = jax.random.normal(k3, (OUT, 2 * D), dtype=jnp.float32) * (1.0 / np.sqrt(2 * D))
    b = jax.random.normal(k4, (OUT,), dtype=jnp.float32) * 0.01
    return {"x": x, "edge_index": edge_index, "gamma": gamma, "beta": beta, "W": W, "b": b}

def reference(x, edge_index, gamma, beta, W, b):
    src = edge_index[0]
    dst = edge_index[1]
    # LayerNorm over features
    mu = jnp.mean(x, axis=-1, keepdims=True)
    var = jnp.var(x, axis=-1, keepdims=True)
    h = (x - mu) / jnp.sqrt(var + EPS) * gamma + beta
    # GraphConv norm='both', weight=False, bias=False:
    # h' = D_in^{-1/2} * sum_{(j->i)} D_out^{-1/2} h_j
    ones_e = jnp.ones((E,), dtype=jnp.float32)
    deg_out = jnp.zeros((N,), dtype=jnp.float32).at[src].add(ones_e)
    deg_in = jnp.zeros((N,), dtype=jnp.float32).at[dst].add(ones_e)
    norm_src = jnp.clip(deg_out, 1.0) ** -0.5
    norm_dst = jnp.clip(deg_in, 1.0) ** -0.5
    msg_e = h[src] * norm_src[src][:, None]
    message = jax.ops.segment_sum(msg_e, dst, num_segments=N) * norm_dst[:, None]
    # concat + feed forward (dropout p=0 is identity in eval)
    cat = jnp.concatenate([h, message], axis=1)
    out = cat @ W.T + b
    return out

if __name__ == "__main__":
    import jax
    _d = setup_inputs()
    print(jax.jit(kernel)(*tuple(_d.values())))

</pallas_src>

<mosaic_0001>
#map = affine_map<(d0, d1) -> (0, 0, 0, 0)>
#map1 = affine_map<(d0, d1) -> (0, 0)>
#map2 = affine_map<(d0, d1) -> (0, 0, 0)>
module attributes {stable_mosaic.version = 14 : i64} {
  func.func @_deg_kernel(%arg0: i32, %arg1: i32, %arg2: memref<2x16x160x128xi32, #tpu.memory_space<hbm>>, %arg3: memref<128x16xf32, #tpu.memory_space<hbm>>, %arg4: memref<640x16xf32, #tpu.memory_space<hbm>>, %arg5: memref<2x10240x16xf32, #tpu.memory_space<hbm>>, %arg6: memref<160x128xi32, #tpu.memory_space<vmem>>, %arg7: memref<128x16xf32, #tpu.memory_space<vmem>>, %arg8: memref<10240x16xf32, #tpu.memory_space<vmem_shared>>, %arg9: memref<!tpu.dma_semaphore, #tpu.memory_space<semaphore_mem>>) attributes {dimension_semantics = [#tpu.dimension_semantics<core_parallel>, #tpu.dimension_semantics<subcore_parallel>], iteration_bounds = array<i64: 2, 16>, scalar_prefetch = 0 : i64, scratch_operands = 4 : i64, tpu.core_type = #tpu.core_type<sc_vector_subcore>, window_params = [{transform_indices = #map}, {transform_indices = #map1}, {transform_indices = #map1}, {transform_indices = #map2}]} {
    "tpu.region"() ({
      %run_scoped3A = tpu.sem_alloc : memref<!tpu.dma_semaphore, #tpu.memory_space<semaphore_mem>>
      tpu.enqueue_dma source(%arg3 : memref<128x16xf32, #tpu.memory_space<hbm>>) target(%arg7 : memref<128x16xf32, #tpu.memory_space<vmem>>) target_semaphore(%run_scoped3A : memref<!tpu.dma_semaphore, #tpu.memory_space<semaphore_mem>>)
      tpu.wait_dma2 semaphore(%run_scoped3A : memref<!tpu.dma_semaphore, #tpu.memory_space<semaphore_mem>>) src(%arg3 : memref<128x16xf32, #tpu.memory_space<hbm>>) dst(%arg7 : memref<128x16xf32, #tpu.memory_space<vmem>>)
      tpu.yield
    }) : () -> ()
    %mul3A = arith.constant 640 : i32
    %mul3A_0 = arith.muli %arg1, %mul3A : i32
    "tpu.region"() ({
      %run_scoped3A = tpu.sem_alloc : memref<!tpu.dma_semaphore, #tpu.memory_space<semaphore_mem>>
      %dma_start3A = arith.constant 0 : i32
      %dma_start3A_17 = tpu.memref_slice %arg8[%mul3A_0, %dma_start3A] : memref<10240x16xf32, #tpu.memory_space<vmem_shared>> -> memref<640x16xf32, #tpu.memory_space<vmem_shared>>
      tpu.enqueue_dma source(%arg4 : memref<640x16xf32, #tpu.memory_space<hbm>>) target(%dma_start3A_17 : memref<640x16xf32, #tpu.memory_space<vmem_shared>>) target_semaphore(%run_scoped3A : memref<!tpu.dma_semaphore, #tpu.memory_space<semaphore_mem>>)
      %dma_wait3A = arith.constant 0 : i32
      %dma_wait3A_18 = tpu.memref_slice %arg8[%mul3A_0, %dma_wait3A] : memref<10240x16xf32, #tpu.memory_space<vmem_shared>> -> memref<640x16xf32, #tpu.memory_space<vmem_shared>>
      tpu.wait_dma2 semaphore(%run_scoped3A : memref<!tpu.dma_semaphore, #tpu.memory_space<semaphore_mem>>) src(%arg4 : memref<640x16xf32, #tpu.memory_space<hbm>>) dst(%dma_wait3A_18 : memref<640x16xf32, #tpu.memory_space<vmem_shared>>)
      tpu.yield
    }) : () -> ()
    "tpu.region"() ({
      %run_scoped3A = tpu.sem_alloc : memref<!tpu.dma_semaphore, #tpu.memory_space<semaphore_mem>>
      %dma_start3A = arith.constant 0 : i32
      %dma_start3A_17 = arith.constant 0 : i32
      %dma_start3A_18 = tpu.memref_slice %arg2[%arg0, %arg1, %dma_start3A, %dma_start3A_17] : memref<2x16x160x128xi32, #tpu.memory_space<hbm>> -> memref<1x1x160x128xi32, #tpu.memory_space<hbm>>
      %dma_start3A_19 = tpu.memref_squeeze %dma_start3A_18 : memref<1x1x160x128xi32, #tpu.memory_space<hbm>> -> memref<160x128xi32, #tpu.memory_space<hbm>>
      %dma_start3A_20 = arith.constant 0 : i32
      %dma_start3A_21 = arith.constant 0 : i32
      %dma_start3A_22 = tpu.memref_slice %arg2[%arg0, %arg1, %dma_start3A_20, %dma_start3A_21] : memref<2x16x160x128xi32, #tpu.memory_space<hbm>> -> memref<1x1x160x128xi32, #tpu.memory_space<hbm>>
      %dma_start3A_23 = tpu.memref_squeeze %dma_start3A_22 : memref<1x1x160x128xi32, #tpu.memory_space<hbm>> -> memref<160x128xi32, #tpu.memory_space<hbm>>
      tpu.enqueue_dma source(%dma_start3A_23 : memref<160x128xi32, #tpu.memory_space<hbm>>) target(%arg6 : memref<160x128xi32, #tpu.memory_space<vmem>>) target_semaphore(%run_scoped3A : memref<!tpu.dma_semaphore, #tpu.memory_space<semaphore_mem>>)
      %dma_wait3A = arith.constant 0 : i32
      %dma_wait3A_24 = arith.constant 0 : i32
      %dma_wait3A_25 = tpu.memref_slice %arg2[%arg0, %arg1, %dma_wait3A, %dma_wait3A_24] : memref<2x16x160x128xi32, #tpu.memory_space<hbm>> -> memref<1x1x160x128xi32, #tpu.memory_space<hbm>>
      %dma_wait3A_26 = tpu.memref_squeeze %dma_wait3A_25 : memref<1x1x160x128xi32, #tpu.memory_space<hbm>> -> memref<160x128xi32, #tpu.memory_space<hbm>>
      %dma_wait3A_27 = arith.constant 0 : i32
      %dma_wait3A_28 = arith.constant 0 : i32
      %dma_wait3A_29 = tpu.memref_slice %arg2[%arg0, %arg1, %dma_wait3A_27, %dma_wait3A_28] : memref<2x16x160x128xi32, #tpu.memory_space<hbm>> -> memref<1x1x160x128xi32, #tpu.memory_space<hbm>>
      %dma_wait3A_30 = tpu.memref_squeeze %dma_wait3A_29 : memref<1x1x160x128xi32, #tpu.memory_space<hbm>> -> memref<160x128xi32, #tpu.memory_space<hbm>>
      tpu.wait_dma2 semaphore(%run_scoped3A : memref<!tpu.dma_semaphore, #tpu.memory_space<semaphore_mem>>) src(%dma_wait3A_30 : memref<160x128xi32, #tpu.memory_space<hbm>>) dst(%arg6 : memref<160x128xi32, #tpu.memory_space<vmem>>)
      tpu.yield
    }) : () -> ()
    %barrier3A = arith.constant 0 : index
    tpu.barrier barrier_id(%barrier3A)
    %scan3A = arith.constant 0 : i32
    %scan3A_1 = arith.constant 0 : i32
    %scan3A_2 = arith.constant 160 : i32
    %scan3A_3 = arith.addi %scan3A_1, %scan3A_2 : i32
    %scan3A_4 = arith.constant 1 : i32
    scf.for %scan3A_17 = %scan3A_1 to %scan3A_3 step %scan3A_4  : i32 {
      %dma_start3A = arith.constant 0 : i32
      %dma_start3A_18 = tpu.memref_slice %arg6[%scan3A_17, %dma_start3A] : memref<160x128xi32, #tpu.memory_space<vmem>> -> memref<1x128xi32, #tpu.memory_space<vmem>>
      %dma_start3A_19 = tpu.memref_squeeze %dma_start3A_18 : memref<1x128xi32, #tpu.memory_space<vmem>> -> memref<128xi32, #tpu.memory_space<vmem>>
      %dma_start3A_20 = arith.constant 0 : i32
      %dma_start3A_21 = arith.constant 0 : i32
      %dma_start3A_22 = tpu.memref_slice %arg8[%dma_start3A_20, %dma_start3A_21] : memref<10240x16xf32, #tpu.memory_space<vmem_shared>> -> memref<10240x16xf32, #tpu.memory_space<vmem_shared>>
      tpu.enqueue_indirect_dma source(%arg7 : memref<128x16xf32, #tpu.memory_space<vmem>>) target(%dma_start3A_22 : memref<10240x16xf32, #tpu.memory_space<vmem_shared>>) offsets(%dma_start3A_19 : memref<128xi32, #tpu.memory_space<vmem>>) semaphore(%arg9 : memref<!tpu.dma_semaphore, #tpu.memory_space<semaphore_mem>>) {add = true}
    }
    %scan3A_5 = arith.constant 160 : i32
    %scan3A_6 = arith.constant 0 : i32
    %scan3A_7 = arith.constant 0 : i32
    %scan3A_8 = arith.constant 160 : i32
    %scan3A_9 = arith.addi %scan3A_7, %scan3A_8 : i32
    %scan3A_10 = arith.constant 1 : i32
    scf.for %scan3A_17 = %scan3A_7 to %scan3A_9 step %scan3A_10  : i32 {
      %dma_wait3A = arith.constant 0 : i32
      %dma_wait3A_18 = arith.constant 0 : i32
      %dma_wait3A_19 = tpu.memref_slice %arg6[%dma_wait3A, %dma_wait3A_18] : memref<160x128xi32, #tpu.memory_space<vmem>> -> memref<1x128xi32, #tpu.memory_space<vmem>>
      %dma_wait3A_20 = tpu.memref_squeeze %dma_wait3A_19 : memref<1x128xi32, #tpu.memory_space<vmem>> -> memref<128xi32, #tpu.memory_space<vmem>>
      %dma_wait3A_21 = arith.constant 0 : i32
      %dma_wait3A_22 = arith.constant 0 : i32
      %dma_wait3A_23 = tpu.memref_slice %arg8[%dma_wait3A_21, %dma_wait3A_22] : memref<10240x16xf32, #tpu.memory_space<vmem_shared>> -> memref<10240x16xf32, #tpu.memory_space<vmem_shared>>
      tpu.wait_indirect_dma semaphore(%arg9 : memref<!tpu.dma_semaphore, #tpu.memory_space<semaphore_mem>>) src(%arg7 : memref<128x16xf32, #tpu.memory_space<vmem>>) dst(%dma_wait3A_23 : memref<10240x16xf32, #tpu.memory_space<vmem_shared>>)
    }
    %scan3A_11 = arith.constant 160 : i32
    %barrier3A_12 = arith.constant 0 : index
    tpu.barrier barrier_id(%barrier3A_12)
    %mul3A_13 = arith.constant 640 : i32
    %mul3A_14 = arith.muli %arg1, %mul3A_13 : i32
    %mul3A_15 = arith.constant 640 : i32
    %mul3A_16 = arith.muli %arg1, %mul3A_15 : i32
    "tpu.region"() ({
      %run_scoped3A = tpu.sem_alloc : memref<!tpu.dma_semaphore, #tpu.memory_space<semaphore_mem>>
      %dma_start3A = arith.constant 0 : i32
      %dma_start3A_17 = tpu.memref_slice %arg5[%arg0, %mul3A_16, %dma_start3A] : memref<2x10240x16xf32, #tpu.memory_space<hbm>> -> memref<1x640x16xf32, #tpu.memory_space<hbm>>
      %dma_start3A_18 = tpu.memref_squeeze %dma_start3A_17 : memref<1x640x16xf32, #tpu.memory_space<hbm>> -> memref<640x16xf32, #tpu.memory_space<hbm>>
      %dma_start3A_19 = arith.constant 0 : i32
      %dma_start3A_20 = tpu.memref_slice %arg8[%mul3A_14, %dma_start3A_19] : memref<10240x16xf32, #tpu.memory_space<vmem_shared>> -> memref<640x16xf32, #tpu.memory_space<vmem_shared>>
      tpu.enqueue_dma source(%dma_start3A_20 : memref<640x16xf32, #tpu.memory_space<vmem_shared>>) target(%dma_start3A_18 : memref<640x16xf32, #tpu.memory_space<hbm>>) target_semaphore(%run_scoped3A : memref<!tpu.dma_semaphore, #tpu.memory_space<semaphore_mem>>)
      %dma_wait3A = arith.constant 0 : i32
      %dma_wait3A_21 = tpu.memref_slice %arg5[%arg0, %mul3A_16, %dma_wait3A] : memref<2x10240x16xf32, #tpu.memory_space<hbm>> -> memref<1x640x16xf32, #tpu.memory_space<hbm>>
      %dma_wait3A_22 = tpu.memref_squeeze %dma_wait3A_21 : memref<1x640x16xf32, #tpu.memory_space<hbm>> -> memref<640x16xf32, #tpu.memory_space<hbm>>
      %dma_wait3A_23 = arith.constant 0 : i32
      %dma_wait3A_24 = tpu.memref_slice %arg8[%mul3A_14, %dma_wait3A_23] : memref<10240x16xf32, #tpu.memory_space<vmem_shared>> -> memref<640x16xf32, #tpu.memory_space<vmem_shared>>
      tpu.wait_dma2 semaphore(%run_scoped3A : memref<!tpu.dma_semaphore, #tpu.memory_space<semaphore_mem>>) src(%dma_wait3A_24 : memref<640x16xf32, #tpu.memory_space<vmem_shared>>) dst(%dma_wait3A_22 : memref<640x16xf32, #tpu.memory_space<hbm>>)
      tpu.yield
    }) : () -> ()
    return
  }
}

#map = affine_map<(d0, d1) -> (0, 0, 0)>
#map1 = affine_map<(d0, d1) -> (0, 0, 0, 0)>
#map2 = affine_map<(d0, d1) -> (0, 0)>
module attributes {stable_mosaic.version = 14 : i64} {
  func.func @_edge_kernel(%arg0: i32, %arg1: i32, %arg2: memref<2x10240x64xf32, #tpu.memory_space<hbm>>, %arg3: memref<2x16x160x128xi32, #tpu.memory_space<hbm>>, %arg4: memref<640x64xf32, #tpu.memory_space<hbm>>, %arg5: memref<2x10240x64xf32, #tpu.memory_space<hbm>>, %arg6: memref<20x128xi32, #tpu.memory_space<vmem>>, %arg7: memref<20x128xi32, #tpu.memory_space<vmem>>, %arg8: memref<128x64xf32, #tpu.memory_space<vmem>>, %arg9: memref<128x64xf32, #tpu.memory_space<vmem>>, %arg10: memref<128x64xf32, #tpu.memory_space<vmem>>, %arg11: memref<128x64xf32, #tpu.memory_space<vmem>>, %arg12: memref<128x64xf32, #tpu.memory_space<vmem>>, %arg13: memref<10240x64xf32, #tpu.memory_space<vmem_shared>>, %arg14: memref<10240x64xf32, #tpu.memory_space<vmem_shared>>, %arg15: memref<!tpu.dma_semaphore, #tpu.memory_space<semaphore_mem>>, %arg16: memref<!tpu.dma_semaphore, #tpu.memory_space<semaphore_mem>>) attributes {dimension_semantics = [#tpu.dimension_semantics<core_parallel>, #tpu.dimension_semantics<subcore_parallel>], iteration_bounds = array<i64: 2, 16>, scalar_prefetch = 0 : i64, scratch_operands = 11 : i64, tpu.core_type = #tpu.core_type<sc_vector_subcore>, window_params = [{transform_indices = #map}, {transform_indices = #map1}, {transform_indices = #map2}, {transform_indices = #map}]} {
    %mul3A = arith.constant 640 : i32
    %mul3A_0 = arith.muli %arg1, %mul3A : i32
    "tpu.region"() ({
      %run_scoped3A = tpu.sem_alloc : memref<!tpu.dma_semaphore, #tpu.memory_space<semaphore_mem>>
      %dma_start3A = arith.constant 0 : i32
      %dma_start3A_7 = tpu.memref_slice %arg14[%mul3A_0, %dma_start3A] : memref<10240x64xf32, #tpu.memory_space<vmem_shared>> -> memref<640x64xf32, #tpu.memory_space<vmem_shared>>
      tpu.enqueue_dma source(%arg4 : memref<640x64xf32, #tpu.memory_space<hbm>>) target(%dma_start3A_7 : memref<640x64xf32, #tpu.memory_space<vmem_shared>>) target_semaphore(%run_scoped3A : memref<!tpu.dma_semaphore, #tpu.memory_space<semaphore_mem>>)
      %dma_wait3A = arith.constant 0 : i32
      %dma_wait3A_8 = tpu.memref_slice %arg14[%mul3A_0, %dma_wait3A] : memref<10240x64xf32, #tpu.memory_space<vmem_shared>> -> memref<640x64xf32, #tpu.memory_space<vmem_shared>>
      tpu.wait_dma2 semaphore(%run_scoped3A : memref<!tpu.dma_semaphore, #tpu.memory_space<semaphore_mem>>) src(%arg4 : memref<640x64xf32, #tpu.memory_space<hbm>>) dst(%dma_wait3A_8 : memref<640x64xf32, #tpu.memory_space<vmem_shared>>)
      tpu.yield
    }) : () -> ()
    "tpu.region"() ({
      %run_scoped3A = tpu.sem_alloc : memref<!tpu.dma_semaphore, #tpu.memory_space<semaphore_mem>>
      %dma_start3A = arith.constant 0 : i32
      %dma_start3A_7 = tpu.memref_slice %arg13[%mul3A_0, %dma_start3A] : memref<10240x64xf32, #tpu.memory_space<vmem_shared>> -> memref<640x64xf32, #tpu.memory_space<vmem_shared>>
      %dma_start3A_8 = arith.constant 0 : i32
      %dma_start3A_9 = tpu.memref_slice %arg2[%arg0, %mul3A_0, %dma_start3A_8] : memref<2x10240x64xf32, #tpu.memory_space<hbm>> -> memref<1x640x64xf32, #tpu.memory_space<hbm>>
      %dma_start3A_10 = tpu.memref_squeeze %dma_start3A_9 : memref<1x640x64xf32, #tpu.memory_space<hbm>> -> memref<640x64xf32, #tpu.memory_space<hbm>>
      tpu.enqueue_dma source(%dma_start3A_10 : memref<640x64xf32, #tpu.memory_space<hbm>>) target(%dma_start3A_7 : memref<640x64xf32, #tpu.memory_space<vmem_shared>>) target_semaphore(%run_scoped3A : memref<!tpu.dma_semaphore, #tpu.memory_space<semaphore_mem>>)
      %dma_wait3A = arith.constant 0 : i32
      %dma_wait3A_11 = tpu.memref_slice %arg13[%mul3A_0, %dma_wait3A] : memref<10240x64xf32, #tpu.memory_space<vmem_shared>> -> memref<640x64xf32, #tpu.memory_space<vmem_shared>>
      %dma_wait3A_12 = arith.constant 0 : i32
      %dma_wait3A_13 = tpu.memref_slice %arg2[%arg0, %mul3A_0, %dma_wait3A_12] : memref<2x10240x64xf32, #tpu.memory_space<hbm>> -> memref<1x640x64xf32, #tpu.memory_space<hbm>>
      %dma_wait3A_14 = tpu.memref_squeeze %dma_wait3A_13 : memref<1x640x64xf32, #tpu.memory_space<hbm>> -> memref<640x64xf32, #tpu.memory_space<hbm>>
      tpu.wait_dma2 semaphore(%run_scoped3A : memref<!tpu.dma_semaphore, #tpu.memory_space<semaphore_mem>>) src(%dma_wait3A_14 : memref<640x64xf32, #tpu.memory_space<hbm>>) dst(%dma_wait3A_11 : memref<640x64xf32, #tpu.memory_space<vmem_shared>>)
      tpu.yield
    }) : () -> ()
    %barrier3A = arith.constant 0 : index
    tpu.barrier barrier_id(%barrier3A)
    %scan3A = arith.constant 0 : i32
    %scan3A_1 = arith.constant 0 : i32
    %scan3A_2 = arith.constant 8 : i32
    %scan3A_3 = arith.addi %scan3A_1, %scan3A_2 : i32
    %scan3A_4 = arith.constant 1 : i32
    scf.for %scan3A_7 = %scan3A_1 to %scan3A_3 step %scan3A_4  : i32 {
      %mul3A_8 = arith.constant 20 : i32
      %mul3A_9 = arith.muli %scan3A_7, %mul3A_8 : i32
      %run_scoped3A = arith.constant 0 : i32
      "tpu.region"() ({
        %run_scoped3A_52 = tpu.sem_alloc : memref<!tpu.dma_semaphore, #tpu.memory_space<semaphore_mem>>
        %dma_start3A = arith.constant 0 : i32
        %dma_start3A_53 = tpu.memref_slice %arg3[%run_scoped3A, %arg1, %mul3A_9, %dma_start3A] : memref<2x16x160x128xi32, #tpu.memory_space<hbm>> -> memref<1x1x20x128xi32, #tpu.memory_space<hbm>>
        %dma_start3A_54 = tpu.memref_squeeze %dma_start3A_53 : memref<1x1x20x128xi32, #tpu.memory_space<hbm>> -> memref<20x128xi32, #tpu.memory_space<hbm>>
        %dma_start3A_55 = arith.constant 0 : i32
        %dma_start3A_56 = tpu.memref_slice %arg3[%run_scoped3A, %arg1, %mul3A_9, %dma_start3A_55] : memref<2x16x160x128xi32, #tpu.memory_space<hbm>> -> memref<1x1x20x128xi32, #tpu.memory_space<hbm>>
        %dma_start3A_57 = tpu.memref_squeeze %dma_start3A_56 : memref<1x1x20x128xi32, #tpu.memory_space<hbm>> -> memref<20x128xi32, #tpu.memory_space<hbm>>
        tpu.enqueue_dma source(%dma_start3A_57 : memref<20x128xi32, #tpu.memory_space<hbm>>) target(%arg6 : memref<20x128xi32, #tpu.memory_space<vmem>>) target_semaphore(%run_scoped3A_52 : memref<!tpu.dma_semaphore, #tpu.memory_space<semaphore_mem>>)
        %dma_wait3A_58 = arith.constant 0 : i32
        %dma_wait3A_59 = tpu.memref_slice %arg3[%run_scoped3A, %arg1, %mul3A_9, %dma_wait3A_58] : memref<2x16x160x128xi32, #tpu.memory_space<hbm>> -> memref<1x1x20x128xi32, #tpu.memory_space<hbm>>
        %dma_wait3A_60 = tpu.memref_squeeze %dma_wait3A_59 : memref<1x1x20x128xi32, #tpu.memory_space<hbm>> -> memref<20x128xi32, #tpu.memory_space<hbm>>
        %dma_wait3A_61 = arith.constant 0 : i32
        %dma_wait3A_62 = tpu.memref_slice %arg3[%run_scoped3A, %arg1, %mul3A_9, %dma_wait3A_61] : memref<2x16x160x128xi32, #tpu.memory_space<hbm>> -> memref<1x1x20x128xi32, #tpu.memory_space<hbm>>
        %dma_wait3A_63 = tpu.memref_squeeze %dma_wait3A_62 : memref<1x1x20x128xi32, #tpu.memory_space<hbm>> -> memref<20x128xi32, #tpu.memory_space<hbm>>
        tpu.wait_dma2 semaphore(%run_scoped3A_52 : memref<!tpu.dma_semaphore, #tpu.memory_space<semaphore_mem>>) src(%dma_wait3A_63 : memref<20x128xi32, #tpu.memory_space<hbm>>) dst(%arg6 : memref<20x128xi32, #tpu.memory_space<vmem>>)
        tpu.yield
      }) : () -> ()
      %mul3A_10 = arith.constant 20 : i32
      %mul3A_11 = arith.muli %scan3A_7, %mul3A_10 : i32
      %run_scoped3A_12 = arith.constant 1 : i32
      "tpu.region"() ({
        %run_scoped3A_52 = tpu.sem_alloc : memref<!tpu.dma_semaphore, #tpu.memory_space<semaphore_mem>>
        %dma_start3A = arith.constant 0 : i32
        %dma_start3A_53 = tpu.memref_slice %arg3[%run_scoped3A_12, %arg1, %mul3A_11, %dma_start3A] : memref<2x16x160x128xi32, #tpu.memory_space<hbm>> -> memref<1x1x20x128xi32, #tpu.memory_space<hbm>>
        %dma_start3A_54 = tpu.memref_squeeze %dma_start3A_53 : memref<1x1x20x128xi32, #tpu.memory_space<hbm>> -> memref<20x128xi32, #tpu.memory_space<hbm>>
        %dma_start3A_55 = arith.constant 0 : i32
        %dma_start3A_56 = tpu.memref_slice %arg3[%run_scoped3A_12, %arg1, %mul3A_11, %dma_start3A_55] : memref<2x16x160x128xi32, #tpu.memory_space<hbm>> -> memref<1x1x20x128xi32, #tpu.memory_space<hbm>>
        %dma_start3A_57 = tpu.memref_squeeze %dma_start3A_56 : memref<1x1x20x128xi32, #tpu.memory_space<hbm>> -> memref<20x128xi32, #tpu.memory_space<hbm>>
        tpu.enqueue_dma source(%dma_start3A_57 : memref<20x128xi32, #tpu.memory_space<hbm>>) target(%arg7 : memref<20x128xi32, #tpu.memory_space<vmem>>) target_semaphore(%run_scoped3A_52 : memref<!tpu.dma_semaphore, #tpu.memory_space<semaphore_mem>>)
        %dma_wait3A_58 = arith.constant 0 : i32
        %dma_wait3A_59 = tpu.memref_slice %arg3[%run_scoped3A_12, %arg1, %mul3A_11, %dma_wait3A_58] : memref<2x16x160x128xi32, #tpu.memory_space<hbm>> -> memref<1x1x20x128xi32, #tpu.memory_space<hbm>>
        %dma_wait3A_60 = tpu.memref_squeeze %dma_wait3A_59 : memref<1x1x20x128xi32, #tpu.memory_space<hbm>> -> memref<20x128xi32, #tpu.memory_space<hbm>>
        %dma_wait3A_61 = arith.constant 0 : i32
        %dma_wait3A_62 = tpu.memref_slice %arg3[%run_scoped3A_12, %arg1, %mul3A_11, %dma_wait3A_61] : memref<2x16x160x128xi32, #tpu.memory_space<hbm>> -> memref<1x1x20x128xi32, #tpu.memory_space<hbm>>
        %dma_wait3A_63 = tpu.memref_squeeze %dma_wait3A_62 : memref<1x1x20x128xi32, #tpu.memory_space<hbm>> -> memref<20x128xi32, #tpu.memory_space<hbm>>
        tpu.wait_dma2 semaphore(%run_scoped3A_52 : memref<!tpu.dma_semaphore, #tpu.memory_space<semaphore_mem>>) src(%dma_wait3A_63 : memref<20x128xi32, #tpu.memory_space<hbm>>) dst(%arg7 : memref<20x128xi32, #tpu.memory_space<vmem>>)
        tpu.yield
      }) : () -> ()
      %scan3A_13 = arith.constant 0 : i32
      %scan3A_14 = arith.constant 4 : i32
      %scan3A_15 = arith.addi %scan3A_13, %scan3A_14 : i32
      %scan3A_16 = arith.constant 1 : i32
      scf.for %scan3A_52 = %scan3A_13 to %scan3A_15 step %scan3A_16  : i32 {
        %mul3A_53 = arith.constant 5 : i32
        %mul3A_54 = arith.muli %scan3A_52, %mul3A_53 : i32
        %gt3A = arith.constant 0 : i32
        %gt3A_55 = arith.cmpi sgt, %scan3A_52, %gt3A : i32
        %convert_element_type3A = arith.extui %gt3A_55 : i1 to i32
        %cond3A = arith.constant 0 : i32
        %cond3A_56 = arith.cmpi ne, %convert_element_type3A, %cond3A : i32
        scf.if %cond3A_56 {
          %dma_wait3A_139 = arith.constant 0 : i32
          %dma_wait3A_140 = arith.constant 0 : i32
          %dma_wait3A_141 = tpu.memref_slice %arg7[%dma_wait3A_139, %dma_wait3A_140] : memref<20x128xi32, #tpu.memory_space<vmem>> -> memref<1x128xi32, #tpu.memory_space<vmem>>
          %dma_wait3A_142 = tpu.memref_squeeze %dma_wait3A_141 : memref<1x128xi32, #tpu.memory_space<vmem>> -> memref<128xi32, #tpu.memory_space<vmem>>
          %dma_wait3A_143 = arith.constant 0 : i32
          %dma_wait3A_144 = arith.constant 0 : i32
          %dma_wait3A_145 = tpu.memref_slice %arg14[%dma_wait3A_143, %dma_wait3A_144] : memref<10240x64xf32, #tpu.memory_space<vmem_shared>> -> memref<10240x64xf32, #tpu.memory_space<vmem_shared>>
          tpu.wait_indirect_dma semaphore(%arg16 : memref<!tpu.dma_semaphore, #tpu.memory_space<semaphore_mem>>) src(%arg8 : memref<128x64xf32, #tpu.memory_space<vmem>>) dst(%dma_wait3A_145 : memref<10240x64xf32, #tpu.memory_space<vmem_shared>>)
          %add3A_146 = arith.constant 0 : i32
          %add3A_147 = arith.addi %mul3A_54, %add3A_146 : i32
          %dma_start3A_148 = arith.constant 0 : i32
          %dma_start3A_149 = tpu.memref_slice %arg6[%add3A_147, %dma_start3A_148] : memref<20x128xi32, #tpu.memory_space<vmem>> -> memref<1x128xi32, #tpu.memory_space<vmem>>
          %dma_start3A_150 = tpu.memref_squeeze %dma_start3A_149 : memref<1x128xi32, #tpu.memory_space<vmem>> -> memref<128xi32, #tpu.memory_space<vmem>>
          %dma_start3A_151 = arith.constant 0 : i32
          %dma_start3A_152 = arith.constant 0 : i32
          %dma_start3A_153 = tpu.memref_slice %arg13[%dma_start3A_151, %dma_start3A_152] : memref<10240x64xf32, #tpu.memory_space<vmem_shared>> -> memref<10240x64xf32, #tpu.memory_space<vmem_shared>>
          tpu.enqueue_indirect_dma source(%dma_start3A_153 : memref<10240x64xf32, #tpu.memory_space<vmem_shared>>) target(%arg8 : memref<128x64xf32, #tpu.memory_space<vmem>>) offsets(%dma_start3A_150 : memref<128xi32, #tpu.memory_space<vmem>>) semaphore(%arg15 : memref<!tpu.dma_semaphore, #tpu.memory_space<semaphore_mem>>)
          %dma_wait3A_154 = arith.constant 1 : i32
          %dma_wait3A_155 = arith.constant 0 : i32
          %dma_wait3A_156 = tpu.memref_slice %arg7[%dma_wait3A_154, %dma_wait3A_155] : memref<20x128xi32, #tpu.memory_space<vmem>> -> memref<1x128xi32, #tpu.memory_space<vmem>>
          %dma_wait3A_157 = tpu.memref_squeeze %dma_wait3A_156 : memref<1x128xi32, #tpu.memory_space<vmem>> -> memref<128xi32, #tpu.memory_space<vmem>>
          %dma_wait3A_158 = arith.constant 0 : i32
          %dma_wait3A_159 = arith.constant 0 : i32
          %dma_wait3A_160 = tpu.memref_slice %arg14[%dma_wait3A_158, %dma_wait3A_159] : memref<10240x64xf32, #tpu.memory_space<vmem_shared>> -> memref<10240x64xf32, #tpu.memory_space<vmem_shared>>
          tpu.wait_indirect_dma semaphore(%arg16 : memref<!tpu.dma_semaphore, #tpu.memory_space<semaphore_mem>>) src(%arg9 : memref<128x64xf32, #tpu.memory_space<vmem>>) dst(%dma_wait3A_160 : memref<10240x64xf32, #tpu.memory_space<vmem_shared>>)
          %add3A_161 = arith.constant 1 : i32
          %add3A_162 = arith.addi %mul3A_54, %add3A_161 : i32
          %dma_start3A_163 = arith.constant 0 : i32
          %dma_start3A_164 = tpu.memref_slice %arg6[%add3A_162, %dma_start3A_163] : memref<20x128xi32, #tpu.memory_space<vmem>> -> memref<1x128xi32, #tpu.memory_space<vmem>>
          %dma_start3A_165 = tpu.memref_squeeze %dma_start3A_164 : memref<1x128xi32, #tpu.memory_space<vmem>> -> memref<128xi32, #tpu.memory_space<vmem>>
          %dma_start3A_166 = arith.constant 0 : i32
          %dma_start3A_167 = arith.constant 0 : i32
          %dma_start3A_168 = tpu.memref_slice %arg13[%dma_start3A_166, %dma_start3A_167] : memref<10240x64xf32, #tpu.memory_space<vmem_shared>> -> memref<10240x64xf32, #tpu.memory_space<vmem_shared>>
          tpu.enqueue_indirect_dma source(%dma_start3A_168 : memref<10240x64xf32, #tpu.memory_space<vmem_shared>>) target(%arg9 : memref<128x64xf32, #tpu.memory_space<vmem>>) offsets(%dma_start3A_165 : memref<128xi32, #tpu.memory_space<vmem>>) semaphore(%arg15 : memref<!tpu.dma_semaphore, #tpu.memory_space<semaphore_mem>>)
          %dma_wait3A_169 = arith.constant 2 : i32
          %dma_wait3A_170 = arith.constant 0 : i32
          %dma_wait3A_171 = tpu.memref_slice %arg7[%dma_wait3A_169, %dma_wait3A_170] : memref<20x128xi32, #tpu.memory_space<vmem>> -> memref<1x128xi32, #tpu.memory_space<vmem>>
          %dma_wait3A_172 = tpu.memref_squeeze %dma_wait3A_171 : memref<1x128xi32, #tpu.memory_space<vmem>> -> memref<128xi32, #tpu.memory_space<vmem>>
          %dma_wait3A_173 = arith.constant 0 : i32
          %dma_wait3A_174 = arith.constant 0 : i32
          %dma_wait3A_175 = tpu.memref_slice %arg14[%dma_wait3A_173, %dma_wait3A_174] : memref<10240x64xf32, #tpu.memory_space<vmem_shared>> -> memref<10240x64xf32, #tpu.memory_space<vmem_shared>>
          tpu.wait_indirect_dma semaphore(%arg16 : memref<!tpu.dma_semaphore, #tpu.memory_space<semaphore_mem>>) src(%arg10 : memref<128x64xf32, #tpu.memory_space<vmem>>) dst(%dma_wait3A_175 : memref<10240x64xf32, #tpu.memory_space<vmem_shared>>)
          %add3A_176 = arith.constant 2 : i32
          %add3A_177 = arith.addi %mul3A_54, %add3A_176 : i32
          %dma_start3A_178 = arith.constant 0 : i32
          %dma_start3A_179 = tpu.memref_slice %arg6[%add3A_177, %dma_start3A_178] : memref<20x128xi32, #tpu.memory_space<vmem>> -> memref<1x128xi32, #tpu.memory_space<vmem>>
          %dma_start3A_180 = tpu.memref_squeeze %dma_start3A_179 : memref<1x128xi32, #tpu.memory_space<vmem>> -> memref<128xi32, #tpu.memory_space<vmem>>
          %dma_start3A_181 = arith.constant 0 : i32
          %dma_start3A_182 = arith.constant 0 : i32
          %dma_start3A_183 = tpu.memref_slice %arg13[%dma_start3A_181, %dma_start3A_182] : memref<10240x64xf32, #tpu.memory_space<vmem_shared>> -> memref<10240x64xf32, #tpu.memory_space<vmem_shared>>
          tpu.enqueue_indirect_dma source(%dma_start3A_183 : memref<10240x64xf32, #tpu.memory_space<vmem_shared>>) target(%arg10 : memref<128x64xf32, #tpu.memory_space<vmem>>) offsets(%dma_start3A_180 : memref<128xi32, #tpu.memory_space<vmem>>) semaphore(%arg15 : memref<!tpu.dma_semaphore, #tpu.memory_space<semaphore_mem>>)
          %dma_wait3A_184 = arith.constant 3 : i32
          %dma_wait3A_185 = arith.constant 0 : i32
          %dma_wait3A_186 = tpu.memref_slice %arg7[%dma_wait3A_184, %dma_wait3A_185] : memref<20x128xi32, #tpu.memory_space<vmem>> -> memref<1x128xi32, #tpu.memory_space<vmem>>
          %dma_wait3A_187 = tpu.memref_squeeze %dma_wait3A_186 : memref<1x128xi32, #tpu.memory_space<vmem>> -> memref<128xi32, #tpu.memory_space<vmem>>
          %dma_wait3A_188 = arith.constant 0 : i32
          %dma_wait3A_189 = arith.constant 0 : i32
          %dma_wait3A_190 = tpu.memref_slice %arg14[%dma_wait3A_188, %dma_wait3A_189] : memref<10240x64xf32, #tpu.memory_space<vmem_shared>> -> memref<10240x64xf32, #tpu.memory_space<vmem_shared>>
          tpu.wait_indirect_dma semaphore(%arg16 : memref<!tpu.dma_semaphore, #tpu.memory_space<semaphore_mem>>) src(%arg11 : memref<128x64xf32, #tpu.memory_space<vmem>>) dst(%dma_wait3A_190 : memref<10240x64xf32, #tpu.memory_space<vmem_shared>>)
          %add3A_191 = arith.constant 3 : i32
          %add3A_192 = arith.addi %mul3A_54, %add3A_191 : i32
          %dma_start3A_193 = arith.constant 0 : i32
          %dma_start3A_194 = tpu.memref_slice %arg6[%add3A_192, %dma_start3A_193] : memref<20x128xi32, #tpu.memory_space<vmem>> -> memref<1x128xi32, #tpu.memory_space<vmem>>
          %dma_start3A_195 = tpu.memref_squeeze %dma_start3A_194 : memref<1x128xi32, #tpu.memory_space<vmem>> -> memref<128xi32, #tpu.memory_space<vmem>>
          %dma_start3A_196 = arith.constant 0 : i32
          %dma_start3A_197 = arith.constant 0 : i32
          %dma_start3A_198 = tpu.memref_slice %arg13[%dma_start3A_196, %dma_start3A_197] : memref<10240x64xf32, #tpu.memory_space<vmem_shared>> -> memref<10240x64xf32, #tpu.memory_space<vmem_shared>>
          tpu.enqueue_indirect_dma source(%dma_start3A_198 : memref<10240x64xf32, #tpu.memory_space<vmem_shared>>) target(%arg11 : memref<128x64xf32, #tpu.memory_space<vmem>>) offsets(%dma_start3A_195 : memref<128xi32, #tpu.memory_space<vmem>>) semaphore(%arg15 : memref<!tpu.dma_semaphore, #tpu.memory_space<semaphore_mem>>)
          %dma_wait3A_199 = arith.constant 4 : i32
          %dma_wait3A_200 = arith.constant 0 : i32
          %dma_wait3A_201 = tpu.memref_slice %arg7[%dma_wait3A_199, %dma_wait3A_200] : memref<20x128xi32, #tpu.memory_space<vmem>> -> memref<1x128xi32, #tpu.memory_space<vmem>>
          %dma_wait3A_202 = tpu.memref_squeeze %dma_wait3A_201 : memref<1x128xi32, #tpu.memory_space<vmem>> -> memref<128xi32, #tpu.memory_space<vmem>>
          %dma_wait3A_203 = arith.constant 0 : i32
          %dma_wait3A_204 = arith.constant 0 : i32
          %dma_wait3A_205 = tpu.memref_slice %arg14[%dma_wait3A_203, %dma_wait3A_204] : memref<10240x64xf32, #tpu.memory_space<vmem_shared>> -> memref<10240x64xf32, #tpu.memory_space<vmem_shared>>
          tpu.wait_indirect_dma semaphore(%arg16 : memref<!tpu.dma_semaphore, #tpu.memory_space<semaphore_mem>>) src(%arg12 : memref<128x64xf32, #tpu.memory_space<vmem>>) dst(%dma_wait3A_205 : memref<10240x64xf32, #tpu.memory_space<vmem_shared>>)
          %add3A_206 = arith.constant 4 : i32
          %add3A_207 = arith.addi %mul3A_54, %add3A_206 : i32
          %dma_start3A_208 = arith.constant 0 : i32
          %dma_start3A_209 = tpu.memref_slice %arg6[%add3A_207, %dma_start3A_208] : memref<20x128xi32, #tpu.memory_space<vmem>> -> memref<1x128xi32, #tpu.memory_space<vmem>>
          %dma_start3A_210 = tpu.memref_squeeze %dma_start3A_209 : memref<1x128xi32, #tpu.memory_space<vmem>> -> memref<128xi32, #tpu.memory_space<vmem>>
          %dma_start3A_211 = arith.constant 0 : i32
          %dma_start3A_212 = arith.constant 0 : i32
          %dma_start3A_213 = tpu.memref_slice %arg13[%dma_start3A_211, %dma_start3A_212] : memref<10240x64xf32, #tpu.memory_space<vmem_shared>> -> memref<10240x64xf32, #tpu.memory_space<vmem_shared>>
          tpu.enqueue_indirect_dma source(%dma_start3A_213 : memref<10240x64xf32, #tpu.memory_space<vmem_shared>>) target(%arg12 : memref<128x64xf32, #tpu.memory_space<vmem>>) offsets(%dma_start3A_210 : memref<128xi32, #tpu.memory_space<vmem>>) semaphore(%arg15 : memref<!tpu.dma_semaphore, #tpu.memory_space<semaphore_mem>>)
        } else {
        }
        %eq3A = arith.constant 0 : i32
        %eq3A_57 = arith.cmpi eq, %scan3A_52, %eq3A : i32
        %convert_element_type3A_58 = arith.extui %eq3A_57 : i1 to i32
        %cond3A_59 = arith.constant 0 : i32
        %cond3A_60 = arith.cmpi ne, %convert_element_type3A_58, %cond3A_59 : i32
        scf.if %cond3A_60 {
          %add3A_139 = arith.constant 0 : i32
          %add3A_140 = arith.addi %mul3A_54, %add3A_139 : i32
          %dma_start3A_141 = arith.constant 0 : i32
          %dma_start3A_142 = tpu.memref_slice %arg6[%add3A_140, %dma_start3A_141] : memref<20x128xi32, #tpu.memory_space<vmem>> -> memref<1x128xi32, #tpu.memory_space<vmem>>
          %dma_start3A_143 = tpu.memref_squeeze %dma_start3A_142 : memref<1x128xi32, #tpu.memory_space<vmem>> -> memref<128xi32, #tpu.memory_space<vmem>>
          %dma_start3A_144 = arith.constant 0 : i32
          %dma_start3A_145 = arith.constant 0 : i32
          %dma_start3A_146 = tpu.memref_slice %arg13[%dma_start3A_144, %dma_start3A_145] : memref<10240x64xf32, #tpu.memory_space<vmem_shared>> -> memref<10240x64xf32, #tpu.memory_space<vmem_shared>>
          tpu.enqueue_indirect_dma source(%dma_start3A_146 : memref<10240x64xf32, #tpu.memory_space<vmem_shared>>) target(%arg8 : memref<128x64xf32, #tpu.memory_space<vmem>>) offsets(%dma_start3A_143 : memref<128xi32, #tpu.memory_space<vmem>>) semaphore(%arg15 : memref<!tpu.dma_semaphore, #tpu.memory_space<semaphore_mem>>)
          %add3A_147 = arith.constant 1 : i32
          %add3A_148 = arith.addi %mul3A_54, %add3A_147 : i32
          %dma_start3A_149 = arith.constant 0 : i32
          %dma_start3A_150 = tpu.memref_slice %arg6[%add3A_148, %dma_start3A_149] : memref<20x128xi32, #tpu.memory_space<vmem>> -> memref<1x128xi32, #tpu.memory_space<vmem>>
          %dma_start3A_151 = tpu.memref_squeeze %dma_start3A_150 : memref<1x128xi32, #tpu.memory_space<vmem>> -> memref<128xi32, #tpu.memory_space<vmem>>
          %dma_start3A_152 = arith.constant 0 : i32
          %dma_start3A_153 = arith.constant 0 : i32
          %dma_start3A_154 = tpu.memref_slice %arg13[%dma_start3A_152, %dma_start3A_153] : memref<10240x64xf32, #tpu.memory_space<vmem_shared>> -> memref<10240x64xf32, #tpu.memory_space<vmem_shared>>
          tpu.enqueue_indirect_dma source(%dma_start3A_154 : memref<10240x64xf32, #tpu.memory_space<vmem_shared>>) target(%arg9 : memref<128x64xf32, #tpu.memory_space<vmem>>) offsets(%dma_start3A_151 : memref<128xi32, #tpu.memory_space<vmem>>) semaphore(%arg15 : memref<!tpu.dma_semaphore, #tpu.memory_space<semaphore_mem>>)
          %add3A_155 = arith.constant 2 : i32
          %add3A_156 = arith.addi %mul3A_54, %add3A_155 : i32
          %dma_start3A_157 = arith.constant 0 : i32
          %dma_start3A_158 = tpu.memref_slice %arg6[%add3A_156, %dma_start3A_157] : memref<20x128xi32, #tpu.memory_space<vmem>> -> memref<1x128xi32, #tpu.memory_space<vmem>>
          %dma_start3A_159 = tpu.memref_squeeze %dma_start3A_158 : memref<1x128xi32, #tpu.memory_space<vmem>> -> memref<128xi32, #tpu.memory_space<vmem>>
          %dma_start3A_160 = arith.constant 0 : i32
          %dma_start3A_161 = arith.constant 0 : i32
          %dma_start3A_162 = tpu.memref_slice %arg13[%dma_start3A_160, %dma_start3A_161] : memref<10240x64xf32, #tpu.memory_space<vmem_shared>> -> memref<10240x64xf32, #tpu.memory_space<vmem_shared>>
          tpu.enqueue_indirect_dma source(%dma_start3A_162 : memref<10240x64xf32, #tpu.memory_space<vmem_shared>>) target(%arg10 : memref<128x64xf32, #tpu.memory_space<vmem>>) offsets(%dma_start3A_159 : memref<128xi32, #tpu.memory_space<vmem>>) semaphore(%arg15 : memref<!tpu.dma_semaphore, #tpu.memory_space<semaphore_mem>>)
          %add3A_163 = arith.constant 3 : i32
          %add3A_164 = arith.addi %mul3A_54, %add3A_163 : i32
          %dma_start3A_165 = arith.constant 0 : i32
          %dma_start3A_166 = tpu.memref_slice %arg6[%add3A_164, %dma_start3A_165] : memref<20x128xi32, #tpu.memory_space<vmem>> -> memref<1x128xi32, #tpu.memory_space<vmem>>
          %dma_start3A_167 = tpu.memref_squeeze %dma_start3A_166 : memref<1x128xi32, #tpu.memory_space<vmem>> -> memref<128xi32, #tpu.memory_space<vmem>>
          %dma_start3A_168 = arith.constant 0 : i32
          %dma_start3A_169 = arith.constant 0 : i32
          %dma_start3A_170 = tpu.memref_slice %arg13[%dma_start3A_168, %dma_start3A_169] : memref<10240x64xf32, #tpu.memory_space<vmem_shared>> -> memref<10240x64xf32, #tpu.memory_space<vmem_shared>>
          tpu.enqueue_indirect_dma source(%dma_start3A_170 : memref<10240x64xf32, #tpu.memory_space<vmem_shared>>) target(%arg11 : memref<128x64xf32, #tpu.memory_space<vmem>>) offsets(%dma_start3A_167 : memref<128xi32, #tpu.memory_space<vmem>>) semaphore(%arg15 : memref<!tpu.dma_semaphore, #tpu.memory_space<semaphore_mem>>)
          %add3A_171 = arith.constant 4 : i32
          %add3A_172 = arith.addi %mul3A_54, %add3A_171 : i32
          %dma_start3A_173 = arith.constant 0 : i32
          %dma_start3A_174 = tpu.memref_slice %arg6[%add3A_172, %dma_start3A_173] : memref<20x128xi32, #tpu.memory_space<vmem>> -> memref<1x128xi32, #tpu.memory_space<vmem>>
          %dma_start3A_175 = tpu.memref_squeeze %dma_start3A_174 : memref<1x128xi32, #tpu.memory_space<vmem>> -> memref<128xi32, #tpu.memory_space<vmem>>
          %dma_start3A_176 = arith.constant 0 : i32
          %dma_start3A_177 = arith.constant 0 : i32
          %dma_start3A_178 = tpu.memref_slice %arg13[%dma_start3A_176, %dma_start3A_177] : memref<10240x64xf32, #tpu.memory_space<vmem_shared>> -> memref<10240x64xf32, #tpu.memory_space<vmem_shared>>
          tpu.enqueue_indirect_dma source(%dma_start3A_178 : memref<10240x64xf32, #tpu.memory_space<vmem_shared>>) target(%arg12 : memref<128x64xf32, #tpu.memory_space<vmem>>) offsets(%dma_start3A_175 : memref<128xi32, #tpu.memory_space<vmem>>) semaphore(%arg15 : memref<!tpu.dma_semaphore, #tpu.memory_space<semaphore_mem>>)
        } else {
        }
        %add3A = arith.constant 0 : i32
        %add3A_61 = arith.addi %mul3A_54, %add3A : i32
        %dma_wait3A_62 = arith.constant 0 : i32
        %dma_wait3A_63 = tpu.memref_slice %arg6[%add3A_61, %dma_wait3A_62] : memref<20x128xi32, #tpu.memory_space<vmem>> -> memref<1x128xi32, #tpu.memory_space<vmem>>
        %dma_wait3A_64 = tpu.memref_squeeze %dma_wait3A_63 : memref<1x128xi32, #tpu.memory_space<vmem>> -> memref<128xi32, #tpu.memory_space<vmem>>
        %dma_wait3A_65 = arith.constant 0 : i32
        %dma_wait3A_66 = arith.constant 0 : i32
        %dma_wait3A_67 = tpu.memref_slice %arg13[%dma_wait3A_65, %dma_wait3A_66] : memref<10240x64xf32, #tpu.memory_space<vmem_shared>> -> memref<10240x64xf32, #tpu.memory_space<vmem_shared>>
        tpu.wait_indirect_dma semaphore(%arg15 : memref<!tpu.dma_semaphore, #tpu.memory_space<semaphore_mem>>) src(%dma_wait3A_67 : memref<10240x64xf32, #tpu.memory_space<vmem_shared>>) dst(%arg8 : memref<128x64xf32, #tpu.memory_space<vmem>>)
        %add3A_68 = arith.constant 0 : i32
        %add3A_69 = arith.addi %mul3A_54, %add3A_68 : i32
        %dma_start3A = arith.constant 0 : i32
        %dma_start3A_70 = tpu.memref_slice %arg7[%add3A_69, %dma_start3A] : memref<20x128xi32, #tpu.memory_space<vmem>> -> memref<1x128xi32, #tpu.memory_space<vmem>>
        %dma_start3A_71 = tpu.memref_squeeze %dma_start3A_70 : memref<1x128xi32, #tpu.memory_space<vmem>> -> memref<128xi32, #tpu.memory_space<vmem>>
        %dma_start3A_72 = arith.constant 0 : i32
        %dma_start3A_73 = arith.constant 0 : i32
        %dma_start3A_74 = tpu.memref_slice %arg14[%dma_start3A_72, %dma_start3A_73] : memref<10240x64xf32, #tpu.memory_space<vmem_shared>> -> memref<10240x64xf32, #tpu.memory_space<vmem_shared>>
        tpu.enqueue_indirect_dma source(%arg8 : memref<128x64xf32, #tpu.memory_space<vmem>>) target(%dma_start3A_74 : memref<10240x64xf32, #tpu.memory_space<vmem_shared>>) offsets(%dma_start3A_71 : memref<128xi32, #tpu.memory_space<vmem>>) semaphore(%arg16 : memref<!tpu.dma_semaphore, #tpu.memory_space<semaphore_mem>>) {add = true}
        %add3A_75 = arith.constant 1 : i32
        %add3A_76 = arith.addi %mul3A_54, %add3A_75 : i32
        %dma_wait3A_77 = arith.constant 0 : i32
        %dma_wait3A_78 = tpu.memref_slice %arg6[%add3A_76, %dma_wait3A_77] : memref<20x128xi32, #tpu.memory_space<vmem>> -> memref<1x128xi32, #tpu.memory_space<vmem>>
        %dma_wait3A_79 = tpu.memref_squeeze %dma_wait3A_78 : memref<1x128xi32, #tpu.memory_space<vmem>> -> memref<128xi32, #tpu.memory_space<vmem>>
        %dma_wait3A_80 = arith.constant 0 : i32
        %dma_wait3A_81 = arith.constant 0 : i32
        %dma_wait3A_82 = tpu.memref_slice %arg13[%dma_wait3A_80, %dma_wait3A_81] : memref<10240x64xf32, #tpu.memory_space<vmem_shared>> -> memref<10240x64xf32, #tpu.memory_space<vmem_shared>>
        tpu.wait_indirect_dma semaphore(%arg15 : memref<!tpu.dma_semaphore, #tpu.memory_space<semaphore_mem>>) src(%dma_wait3A_82 : memref<10240x64xf32, #tpu.memory_space<vmem_shared>>) dst(%arg9 : memref<128x64xf32, #tpu.memory_space<vmem>>)
        %add3A_83 = arith.constant 1 : i32
        %add3A_84 = arith.addi %mul3A_54, %add3A_83 : i32
        %dma_start3A_85 = arith.constant 0 : i32
        %dma_start3A_86 = tpu.memref_slice %arg7[%add3A_84, %dma_start3A_85] : memref<20x128xi32, #tpu.memory_space<vmem>> -> memref<1x128xi32, #tpu.memory_space<vmem>>
        %dma_start3A_87 = tpu.memref_squeeze %dma_start3A_86 : memref<1x128xi32, #tpu.memory_space<vmem>> -> memref<128xi32, #tpu.memory_space<vmem>>
        %dma_start3A_88 = arith.constant 0 : i32
        %dma_start3A_89 = arith.constant 0 : i32
        %dma_start3A_90 = tpu.memref_slice %arg14[%dma_start3A_88, %dma_start3A_89] : memref<10240x64xf32, #tpu.memory_space<vmem_shared>> -> memref<10240x64xf32, #tpu.memory_space<vmem_shared>>
        tpu.enqueue_indirect_dma source(%arg9 : memref<128x64xf32, #tpu.memory_space<vmem>>) target(%dma_start3A_90 : memref<10240x64xf32, #tpu.memory_space<vmem_shared>>) offsets(%dma_start3A_87 : memref<128xi32, #tpu.memory_space<vmem>>) semaphore(%arg16 : memref<!tpu.dma_semaphore, #tpu.memory_space<semaphore_mem>>) {add = true}
        %add3A_91 = arith.constant 2 : i32
        %add3A_92 = arith.addi %mul3A_54, %add3A_91 : i32
        %dma_wait3A_93 = arith.constant 0 : i32
        %dma_wait3A_94 = tpu.memref_slice %arg6[%add3A_92, %dma_wait3A_93] : memref<20x128xi32, #tpu.memory_space<vmem>> -> memref<1x128xi32, #tpu.memory_space<vmem>>
        %dma_wait3A_95 = tpu.memref_squeeze %dma_wait3A_94 : memref<1x128xi32, #tpu.memory_space<vmem>> -> memref<128xi32, #tpu.memory_space<vmem>>
        %dma_wait3A_96 = arith.constant 0 : i32
        %dma_wait3A_97 = arith.constant 0 : i32
        %dma_wait3A_98 = tpu.memref_slice %arg13[%dma_wait3A_96, %dma_wait3A_97] : memref<10240x64xf32, #tpu.memory_space<vmem_shared>> -> memref<10240x64xf32, #tpu.memory_space<vmem_shared>>
        tpu.wait_indirect_dma semaphore(%arg15 : memref<!tpu.dma_semaphore, #tpu.memory_space<semaphore_mem>>) src(%dma_wait3A_98 : memref<10240x64xf32, #tpu.memory_space<vmem_shared>>) dst(%arg10 : memref<128x64xf32, #tpu.memory_space<vmem>>)
        %add3A_99 = arith.constant 2 : i32
        %add3A_100 = arith.addi %mul3A_54, %add3A_99 : i32
        %dma_start3A_101 = arith.constant 0 : i32
        %dma_start3A_102 = tpu.memref_slice %arg7[%add3A_100, %dma_start3A_101] : memref<20x128xi32, #tpu.memory_space<vmem>> -> memref<1x128xi32, #tpu.memory_space<vmem>>
        %dma_start3A_103 = tpu.memref_squeeze %dma_start3A_102 : memref<1x128xi32, #tpu.memory_space<vmem>> -> memref<128xi32, #tpu.memory_space<vmem>>
        %dma_start3A_104 = arith.constant 0 : i32
        %dma_start3A_105 = arith.constant 0 : i32
        %dma_start3A_106 = tpu.memref_slice %arg14[%dma_start3A_104, %dma_start3A_105] : memref<10240x64xf32, #tpu.memory_space<vmem_shared>> -> memref<10240x64xf32, #tpu.memory_space<vmem_shared>>
        tpu.enqueue_indirect_dma source(%arg10 : memref<128x64xf32, #tpu.memory_space<vmem>>) target(%dma_start3A_106 : memref<10240x64xf32, #tpu.memory_space<vmem_shared>>) offsets(%dma_start3A_103 : memref<128xi32, #tpu.memory_space<vmem>>) semaphore(%arg16 : memref<!tpu.dma_semaphore, #tpu.memory_space<semaphore_mem>>) {add = true}
        %add3A_107 = arith.constant 3 : i32
        %add3A_108 = arith.addi %mul3A_54, %add3A_107 : i32
        %dma_wait3A_109 = arith.constant 0 : i32
        %dma_wait3A_110 = tpu.memref_slice %arg6[%add3A_108, %dma_wait3A_109] : memref<20x128xi32, #tpu.memory_space<vmem>> -> memref<1x128xi32, #tpu.memory_space<vmem>>
        %dma_wait3A_111 = tpu.memref_squeeze %dma_wait3A_110 : memref<1x128xi32, #tpu.memory_space<vmem>> -> memref<128xi32, #tpu.memory_space<vmem>>
        %dma_wait3A_112 = arith.constant 0 : i32
        %dma_wait3A_113 = arith.constant 0 : i32
        %dma_wait3A_114 = tpu.memref_slice %arg13[%dma_wait3A_112, %dma_wait3A_113] : memref<10240x64xf32, #tpu.memory_space<vmem_shared>> -> memref<10240x64xf32, #tpu.memory_space<vmem_shared>>
        tpu.wait_indirect_dma semaphore(%arg15 : memref<!tpu.dma_semaphore, #tpu.memory_space<semaphore_mem>>) src(%dma_wait3A_114 : memref<10240x64xf32, #tpu.memory_space<vmem_shared>>) dst(%arg11 : memref<128x64xf32, #tpu.memory_space<vmem>>)
        %add3A_115 = arith.constant 3 : i32
        %add3A_116 = arith.addi %mul3A_54, %add3A_115 : i32
        %dma_start3A_117 = arith.constant 0 : i32
        %dma_start3A_118 = tpu.memref_slice %arg7[%add3A_116, %dma_start3A_117] : memref<20x128xi32, #tpu.memory_space<vmem>> -> memref<1x128xi32, #tpu.memory_space<vmem>>
        %dma_start3A_119 = tpu.memref_squeeze %dma_start3A_118 : memref<1x128xi32, #tpu.memory_space<vmem>> -> memref<128xi32, #tpu.memory_space<vmem>>
        %dma_start3A_120 = arith.constant 0 : i32
        %dma_start3A_121 = arith.constant 0 : i32
        %dma_start3A_122 = tpu.memref_slice %arg14[%dma_start3A_120, %dma_start3A_121] : memref<10240x64xf32, #tpu.memory_space<vmem_shared>> -> memref<10240x64xf32, #tpu.memory_space<vmem_shared>>
        tpu.enqueue_indirect_dma source(%arg11 : memref<128x64xf32, #tpu.memory_space<vmem>>) target(%dma_start3A_122 : memref<10240x64xf32, #tpu.memory_space<vmem_shared>>) offsets(%dma_start3A_119 : memref<128xi32, #tpu.memory_space<vmem>>) semaphore(%arg16 : memref<!tpu.dma_semaphore, #tpu.memory_space<semaphore_mem>>) {add = true}
        %add3A_123 = arith.constant 4 : i32
        %add3A_124 = arith.addi %mul3A_54, %add3A_123 : i32
        %dma_wait3A_125 = arith.constant 0 : i32
        %dma_wait3A_126 = tpu.memref_slice %arg6[%add3A_124, %dma_wait3A_125] : memref<20x128xi32, #tpu.memory_space<vmem>> -> memref<1x128xi32, #tpu.memory_space<vmem>>
        %dma_wait3A_127 = tpu.memref_squeeze %dma_wait3A_126 : memref<1x128xi32, #tpu.memory_space<vmem>> -> memref<128xi32, #tpu.memory_space<vmem>>
        %dma_wait3A_128 = arith.constant 0 : i32
        %dma_wait3A_129 = arith.constant 0 : i32
        %dma_wait3A_130 = tpu.memref_slice %arg13[%dma_wait3A_128, %dma_wait3A_129] : memref<10240x64xf32, #tpu.memory_space<vmem_shared>> -> memref<10240x64xf32, #tpu.memory_space<vmem_shared>>
        tpu.wait_indirect_dma semaphore(%arg15 : memref<!tpu.dma_semaphore, #tpu.memory_space<semaphore_mem>>) src(%dma_wait3A_130 : memref<10240x64xf32, #tpu.memory_space<vmem_shared>>) dst(%arg12 : memref<128x64xf32, #tpu.memory_space<vmem>>)
        %add3A_131 = arith.constant 4 : i32
        %add3A_132 = arith.addi %mul3A_54, %add3A_131 : i32
        %dma_start3A_133 = arith.constant 0 : i32
        %dma_start3A_134 = tpu.memref_slice %arg7[%add3A_132, %dma_start3A_133] : memref<20x128xi32, #tpu.memory_space<vmem>> -> memref<1x128xi32, #tpu.memory_space<vmem>>
        %dma_start3A_135 = tpu.memref_squeeze %dma_start3A_134 : memref<1x128xi32, #tpu.memory_space<vmem>> -> memref<128xi32, #tpu.memory_space<vmem>>
        %dma_start3A_136 = arith.constant 0 : i32
        %dma_start3A_137 = arith.constant 0 : i32
        %dma_start3A_138 = tpu.memref_slice %arg14[%dma_start3A_136, %dma_start3A_137] : memref<10240x64xf32, #tpu.memory_space<vmem_shared>> -> memref<10240x64xf32, #tpu.memory_space<vmem_shared>>
        tpu.enqueue_indirect_dma source(%arg12 : memref<128x64xf32, #tpu.memory_space<vmem>>) target(%dma_start3A_138 : memref<10240x64xf32, #tpu.memory_space<vmem_shared>>) offsets(%dma_start3A_135 : memref<128xi32, #tpu.memory_space<vmem>>) semaphore(%arg16 : memref<!tpu.dma_semaphore, #tpu.memory_space<semaphore_mem>>) {add = true}
      }
      %scan3A_17 = arith.constant 4 : i32
      %dma_wait3A = arith.constant 0 : i32
      %dma_wait3A_18 = arith.constant 0 : i32
      %dma_wait3A_19 = tpu.memref_slice %arg7[%dma_wait3A, %dma_wait3A_18] : memref<20x128xi32, #tpu.memory_space<vmem>> -> memref<1x128xi32, #tpu.memory_space<vmem>>
      %dma_wait3A_20 = tpu.memref_squeeze %dma_wait3A_19 : memref<1x128xi32, #tpu.memory_space<vmem>> -> memref<128xi32, #tpu.memory_space<vmem>>
      %dma_wait3A_21 = arith.constant 0 : i32
      %dma_wait3A_22 = arith.constant 0 : i32
      %dma_wait3A_23 = tpu.memref_slice %arg14[%dma_wait3A_21, %dma_wait3A_22] : memref<10240x64xf32, #tpu.memory_space<vmem_shared>> -> memref<10240x64xf32, #tpu.memory_space<vmem_shared>>
      tpu.wait_indirect_dma semaphore(%arg16 : memref<!tpu.dma_semaphore, #tpu.memory_space<semaphore_mem>>) src(%arg8 : memref<128x64xf32, #tpu.memory_space<vmem>>) dst(%dma_wait3A_23 : memref<10240x64xf32, #tpu.memory_space<vmem_shared>>)
      %dma_wait3A_24 = arith.constant 1 : i32
      %dma_wait3A_25 = arith.constant 0 : i32
      %dma_wait3A_26 = tpu.memref_slice %arg7[%dma_wait3A_24, %dma_wait3A_25] : memref<20x128xi32, #tpu.memory_space<vmem>> -> memref<1x128xi32, #tpu.memory_space<vmem>>
      %dma_wait3A_27 = tpu.memref_squeeze %dma_wait3A_26 : memref<1x128xi32, #tpu.memory_space<vmem>> -> memref<128xi32, #tpu.memory_space<vmem>>
      %dma_wait3A_28 = arith.constant 0 : i32
      %dma_wait3A_29 = arith.constant 0 : i32
      %dma_wait3A_30 = tpu.memref_slice %arg14[%dma_wait3A_28, %dma_wait3A_29] : memref<10240x64xf32, #tpu.memory_space<vmem_shared>> -> memref<10240x64xf32, #tpu.memory_space<vmem_shared>>
      tpu.wait_indirect_dma semaphore(%arg16 : memref<!tpu.dma_semaphore, #tpu.memory_space<semaphore_mem>>) src(%arg9 : memref<128x64xf32, #tpu.memory_space<vmem>>) dst(%dma_wait3A_30 : memref<10240x64xf32, #tpu.memory_space<vmem_shared>>)
      %dma_wait3A_31 = arith.constant 2 : i32
      %dma_wait3A_32 = arith.constant 0 : i32
      %dma_wait3A_33 = tpu.memref_slice %arg7[%dma_wait3A_31, %dma_wait3A_32] : memref<20x128xi32, #tpu.memory_space<vmem>> -> memref<1x128xi32, #tpu.memory_space<vmem>>
      %dma_wait3A_34 = tpu.memref_squeeze %dma_wait3A_33 : memref<1x128xi32, #tpu.memory_space<vmem>> -> memref<128xi32, #tpu.memory_space<vmem>>
      %dma_wait3A_35 = arith.constant 0 : i32
      %dma_wait3A_36 = arith.constant 0 : i32
      %dma_wait3A_37 = tpu.memref_slice %arg14[%dma_wait3A_35, %dma_wait3A_36] : memref<10240x64xf32, #tpu.memory_space<vmem_shared>> -> memref<10240x64xf32, #tpu.memory_space<vmem_shared>>
      tpu.wait_indirect_dma semaphore(%arg16 : memref<!tpu.dma_semaphore, #tpu.memory_space<semaphore_mem>>) src(%arg10 : memref<128x64xf32, #tpu.memory_space<vmem>>) dst(%dma_wait3A_37 : memref<10240x64xf32, #tpu.memory_space<vmem_shared>>)
      %dma_wait3A_38 = arith.constant 3 : i32
      %dma_wait3A_39 = arith.constant 0 : i32
      %dma_wait3A_40 = tpu.memref_slice %arg7[%dma_wait3A_38, %dma_wait3A_39] : memref<20x128xi32, #tpu.memory_space<vmem>> -> memref<1x128xi32, #tpu.memory_space<vmem>>
      %dma_wait3A_41 = tpu.memref_squeeze %dma_wait3A_40 : memref<1x128xi32, #tpu.memory_space<vmem>> -> memref<128xi32, #tpu.memory_space<vmem>>
      %dma_wait3A_42 = arith.constant 0 : i32
      %dma_wait3A_43 = arith.constant 0 : i32
      %dma_wait3A_44 = tpu.memref_slice %arg14[%dma_wait3A_42, %dma_wait3A_43] : memref<10240x64xf32, #tpu.memory_space<vmem_shared>> -> memref<10240x64xf32, #tpu.memory_space<vmem_shared>>
      tpu.wait_indirect_dma semaphore(%arg16 : memref<!tpu.dma_semaphore, #tpu.memory_space<semaphore_mem>>) src(%arg11 : memref<128x64xf32, #tpu.memory_space<vmem>>) dst(%dma_wait3A_44 : memref<10240x64xf32, #tpu.memory_space<vmem_shared>>)
      %dma_wait3A_45 = arith.constant 4 : i32
      %dma_wait3A_46 = arith.constant 0 : i32
      %dma_wait3A_47 = tpu.memref_slice %arg7[%dma_wait3A_45, %dma_wait3A_46] : memref<20x128xi32, #tpu.memory_space<vmem>> -> memref<1x128xi32, #tpu.memory_space<vmem>>
      %dma_wait3A_48 = tpu.memref_squeeze %dma_wait3A_47 : memref<1x128xi32, #tpu.memory_space<vmem>> -> memref<128xi32, #tpu.memory_space<vmem>>
      %dma_wait3A_49 = arith.constant 0 : i32
      %dma_wait3A_50 = arith.constant 0 : i32
      %dma_wait3A_51 = tpu.memref_slice %arg14[%dma_wait3A_49, %dma_wait3A_50] : memref<10240x64xf32, #tpu.memory_space<vmem_shared>> -> memref<10240x64xf32, #tpu.memory_space<vmem_shared>>
      tpu.wait_indirect_dma semaphore(%arg16 : memref<!tpu.dma_semaphore, #tpu.memory_space<semaphore_mem>>) src(%arg12 : memref<128x64xf32, #tpu.memory_space<vmem>>) dst(%dma_wait3A_51 : memref<10240x64xf32, #tpu.memory_space<vmem_shared>>)
    }
    %scan3A_5 = arith.constant 8 : i32
    %barrier3A_6 = arith.constant 0 : index
    tpu.barrier barrier_id(%barrier3A_6)
    "tpu.region"() ({
      %run_scoped3A = tpu.sem_alloc : memref<!tpu.dma_semaphore, #tpu.memory_space<semaphore_mem>>
      %dma_start3A = arith.constant 0 : i32
      %dma_start3A_7 = tpu.memref_slice %arg5[%arg0, %mul3A_0, %dma_start3A] : memref<2x10240x64xf32, #tpu.memory_space<hbm>> -> memref<1x640x64xf32, #tpu.memory_space<hbm>>
      %dma_start3A_8 = tpu.memref_squeeze %dma_start3A_7 : memref<1x640x64xf32, #tpu.memory_space<hbm>> -> memref<640x64xf32, #tpu.memory_space<hbm>>
      %dma_start3A_9 = arith.constant 0 : i32
      %dma_start3A_10 = tpu.memref_slice %arg14[%mul3A_0, %dma_start3A_9] : memref<10240x64xf32, #tpu.memory_space<vmem_shared>> -> memref<640x64xf32, #tpu.memory_space<vmem_shared>>
      tpu.enqueue_dma source(%dma_start3A_10 : memref<640x64xf32, #tpu.memory_space<vmem_shared>>) target(%dma_start3A_8 : memref<640x64xf32, #tpu.memory_space<hbm>>) target_semaphore(%run_scoped3A : memref<!tpu.dma_semaphore, #tpu.memory_space<semaphore_mem>>)
      %dma_wait3A = arith.constant 0 : i32
      %dma_wait3A_11 = tpu.memref_slice %arg5[%arg0, %mul3A_0, %dma_wait3A] : memref<2x10240x64xf32, #tpu.memory_space<hbm>> -> memref<1x640x64xf32, #tpu.memory_space<hbm>>
      %dma_wait3A_12 = tpu.memref_squeeze %dma_wait3A_11 : memref<1x640x64xf32, #tpu.memory_space<hbm>> -> memref<640x64xf32, #tpu.memory_space<hbm>>
      %dma_wait3A_13 = arith.constant 0 : i32
      %dma_wait3A_14 = tpu.memref_slice %arg14[%mul3A_0, %dma_wait3A_13] : memref<10240x64xf32, #tpu.memory_space<vmem_shared>> -> memref<640x64xf32, #tpu.memory_space<vmem_shared>>
      tpu.wait_dma2 semaphore(%run_scoped3A : memref<!tpu.dma_semaphore, #tpu.memory_space<semaphore_mem>>) src(%dma_wait3A_14 : memref<640x64xf32, #tpu.memory_space<vmem_shared>>) dst(%dma_wait3A_12 : memref<640x64xf32, #tpu.memory_space<hbm>>)
      tpu.yield
    }) : () -> ()
    return
  }
}

module attributes {stable_mosaic.version = 14 : i64} {
  func.func @_ln_body(%arg0: i32, %arg1: memref<1024x128xf32, #tpu.memory_space<vmem>>, %arg2: memref<1x128xf32, #tpu.memory_space<vmem>>, %arg3: memref<1x128xf32, #tpu.memory_space<vmem>>, %arg4: memref<1024x128xf32, #tpu.memory_space<vmem>>) attributes {dimension_semantics = [#tpu.dimension_semantics<arbitrary>], iteration_bounds = array<i64: 10>, scalar_prefetch = 0 : i64, scratch_operands = 0 : i64, tpu.core_type = #tpu.core_type<tc>, window_params = [{transform_indices = @transform_0, window_bounds = array<i64: 1024, 128>}, {pipeline_mode = #tpu.pipeline_mode<synchronous>, transform_indices = @transform_1, window_bounds = array<i64: 1, 128>}, {pipeline_mode = #tpu.pipeline_mode<synchronous>, transform_indices = @transform_2, window_bounds = array<i64: 1, 128>}, {transform_indices = @transform_3, window_bounds = array<i64: 1024, 128>}]} {
    %get3A = arith.constant 0 : index
    %get3A_0 = arith.constant 0 : index
    %get3A_1 = vector.load %arg1[%get3A, %get3A_0] : memref<1024x128xf32, #tpu.memory_space<vmem>>, vector<1024x128xf32>
    %reduce_sum3A = arith.constant dense<0.000000e+00> : vector<1024xf32>
    %reduce_sum3A_2 = vector.multi_reduction <add>, %get3A_1, %reduce_sum3A [1] : vector<1024x128xf32> to vector<1024xf32>
    %broadcast_in_dim3A = vector.shape_cast %reduce_sum3A_2 : vector<1024xf32> to vector<1024x1xf32>
    %div3A = arith.constant 1.280000e+02 : f32
    %div3A_3 = vector.broadcast %div3A : f32 to vector<1024x1xf32>
    %div3A_4 = arith.divf %broadcast_in_dim3A, %div3A_3 : vector<1024x1xf32>
    %sub3A = vector.broadcast %div3A_4 : vector<1024x1xf32> to vector<1024x128xf32>
    %sub3A_5 = arith.subf %get3A_1, %sub3A : vector<1024x128xf32>
    %mul3A = arith.mulf %sub3A_5, %sub3A_5 : vector<1024x128xf32>
    %reduce_sum3A_6 = arith.constant dense<0.000000e+00> : vector<1024xf32>
    %reduce_sum3A_7 = vector.multi_reduction <add>, %mul3A, %reduce_sum3A_6 [1] : vector<1024x128xf32> to vector<1024xf32>
    %broadcast_in_dim3A_8 = vector.shape_cast %reduce_sum3A_7 : vector<1024xf32> to vector<1024x1xf32>
    %div3A_9 = arith.constant 1.280000e+02 : f32
    %div3A_10 = vector.broadcast %div3A_9 : f32 to vector<1024x1xf32>
    %div3A_11 = arith.divf %broadcast_in_dim3A_8, %div3A_10 : vector<1024x1xf32>
    %add3A = arith.constant 9.99999974E-6 : f32
    %add3A_12 = vector.broadcast %add3A : f32 to vector<1024x1xf32>
    %add3A_13 = arith.addf %div3A_11, %add3A_12 : vector<1024x1xf32>
    %rsqrt3A = math.rsqrt %add3A_13 : vector<1024x1xf32>
    %mul3A_14 = vector.broadcast %rsqrt3A : vector<1024x1xf32> to vector<1024x128xf32>
    %mul3A_15 = arith.mulf %sub3A_5, %mul3A_14 : vector<1024x128xf32>
    %get3A_16 = arith.constant 0 : index
    %get3A_17 = arith.constant 0 : index
    %get3A_18 = vector.load %arg2[%get3A_16, %get3A_17] : memref<1x128xf32, #tpu.memory_space<vmem>>, vector<1x128xf32>
    %mul3A_19 = vector.broadcast %get3A_18 : vector<1x128xf32> to vector<1024x128xf32>
    %mul3A_20 = arith.mulf %mul3A_15, %mul3A_19 : vector<1024x128xf32>
    %get3A_21 = arith.constant 0 : index
    %get3A_22 = arith.constant 0 : index
    %get3A_23 = vector.load %arg3[%get3A_21, %get3A_22] : memref<1x128xf32, #tpu.memory_space<vmem>>, vector<1x128xf32>
    %add3A_24 = vector.broadcast %get3A_23 : vector<1x128xf32> to vector<1024x128xf32>
    %add3A_25 = arith.addf %mul3A_20, %add3A_24 : vector<1024x128xf32>
    %swap3A = arith.constant 0 : index
    %swap3A_26 = arith.constant 0 : index
    %swap3A_27 = vector.load %arg4[%swap3A, %swap3A_26] : memref<1024x128xf32, #tpu.memory_space<vmem>>, vector<1024x128xf32>
    tpu.vector_store %arg4[%swap3A, %swap3A_26], %add3A_25 {strides = array<i32>} : memref<1024x128xf32, #tpu.memory_space<vmem>>, vector<1024x128xf32>,
    return
  }
  func.func @transform_0(%arg0: i32) -> (i32, i32) {
    %c0_i32 = arith.constant 0 : i32
    %c0_i32_0 = arith.constant 0 : i32
    return %arg0, %c0_i32 : i32, i32
  }
  func.func @transform_1(%arg0: i32) -> (i32, i32) {
    %c0_i32 = arith.constant 0 : i32
    %c0_i32_0 = arith.constant 0 : i32
    %c0_i32_1 = arith.constant 0 : i32
    return %c0_i32, %c0_i32_0 : i32, i32
  }
  func.func @transform_2(%arg0: i32) -> (i32, i32) {
    %c0_i32 = arith.constant 0 : i32
    %c0_i32_0 = arith.constant 0 : i32
    %c0_i32_1 = arith.constant 0 : i32
    return %c0_i32, %c0_i32_0 : i32, i32
  }
  func.func @transform_3(%arg0: i32) -> (i32, i32) {
    %c0_i32 = arith.constant 0 : i32
    %c0_i32_0 = arith.constant 0 : i32
    return %arg0, %c0_i32 : i32, i32
  }
}

module attributes {stable_mosaic.version = 14 : i64} {
  func.func @_hs_body(%arg0: i32, %arg1: memref<1024x128xf32, #tpu.memory_space<vmem>>, %arg2: memref<1x1024x16xf32, #tpu.memory_space<vmem>>, %arg3: memref<2x1024x64xf32, #tpu.memory_space<vmem>>) attributes {dimension_semantics = [#tpu.dimension_semantics<arbitrary>], iteration_bounds = array<i64: 10>, scalar_prefetch = 0 : i64, scratch_operands = 0 : i64, tpu.core_type = #tpu.core_type<tc>, window_params = [{transform_indices = @transform_0, window_bounds = array<i64: 1024, 128>}, {transform_indices = @transform_1, window_bounds = array<i64: 1, 1024, 16>}, {transform_indices = @transform_2, window_bounds = array<i64: 2, 1024, 64>}]} {
    %get3A = arith.constant 0 : index
    %get3A_0 = arith.constant 0 : index
    %get3A_1 = arith.constant 0 : index
    %get3A_2 = vector.load %arg2[%get3A, %get3A_0, %get3A_1] : memref<1x1024x16xf32, #tpu.memory_space<vmem>>, vector<1x1024x1xf32>
    %get3A_3 = vector.shape_cast %get3A_2 : vector<1x1024x1xf32> to vector<1024x1xf32>
    %max3A = arith.constant 1.000000e+00 : f32
    %max3A_4 = vector.broadcast %max3A : f32 to vector<1024x1xf32>
    %max3A_5 = arith.maximumf %get3A_3, %max3A_4 : vector<1024x1xf32>
    %rsqrt3A = math.rsqrt %max3A_5 : vector<1024x1xf32>
    %iota3A = tpu.iota {dimensions = array<i32: 0>} : vector<1024x1xi32>
    %mul3A = arith.constant 1024 : i32
    %mul3A_6 = arith.muli %arg0, %mul3A : i32
    %add3A = vector.broadcast %mul3A_6 : i32 to vector<1024x1xi32>
    %add3A_7 = arith.addi %iota3A, %add3A : vector<1024x1xi32>
    %lt3A = arith.constant 10000 : i32
    %lt3A_8 = vector.broadcast %lt3A : i32 to vector<1024x1xi32>
    %lt3A_9 = arith.cmpi slt, %add3A_7, %lt3A_8 : vector<1024x1xi32>
    %get3A_10 = arith.constant 0 : index
    %get3A_11 = arith.constant 0 : index
    %get3A_12 = vector.load %arg1[%get3A_10, %get3A_11] : memref<1024x128xf32, #tpu.memory_space<vmem>>, vector<1024x128xf32>
    %mul3A_13 = vector.broadcast %rsqrt3A : vector<1024x1xf32> to vector<1024x128xf32>
    %mul3A_14 = arith.mulf %get3A_12, %mul3A_13 : vector<1024x128xf32>
    %jit3A = arith.constant 0.000000e+00 : f32
    %broadcast_in_dim3A = vector.shape_cast %lt3A_9 : vector<1024x1xi1> to vector<1024x1xi1>
    %broadcast_in_dim3A_15 = vector.broadcast %broadcast_in_dim3A : vector<1024x1xi1> to vector<1024x128xi1>
    %broadcast_in_dim3A_16 = vector.broadcast %jit3A : f32 to vector<1024x128xf32>
    %select_n3A = arith.select %broadcast_in_dim3A_15, %mul3A_14, %broadcast_in_dim3A_16 : vector<1024x128xi1>, vector<1024x128xf32>
    %slice3A = vector.extract_strided_slice %select_n3A {offsets = [0, 0], sizes = [1024, 64], strides = [1, 1]} : vector<1024x128xf32> to vector<1024x64xf32>
    %slice3A_17 = vector.extract_strided_slice %select_n3A {offsets = [0, 64], sizes = [1024, 64], strides = [1, 1]} : vector<1024x128xf32> to vector<1024x64xf32>
    %stack3A = vector.shape_cast %slice3A : vector<1024x64xf32> to vector<1x1024x64xf32>
    %stack3A_18 = vector.shape_cast %slice3A_17 : vector<1024x64xf32> to vector<1x1024x64xf32>
    %stack3A_19 = tpu.concatenate %stack3A, %stack3A_18 in 0 : vector<1x1024x64xf32>, vector<1x1024x64xf32> -> vector<2x1024x64xf32>
    %swap3A = arith.constant 0 : index
    %swap3A_20 = arith.constant 0 : index
    %swap3A_21 = arith.constant 0 : index
    %swap3A_22 = vector.load %arg3[%swap3A, %swap3A_20, %swap3A_21] : memref<2x1024x64xf32, #tpu.memory_space<vmem>>, vector<2x1024x64xf32>
    tpu.vector_store %arg3[%swap3A, %swap3A_20, %swap3A_21], %stack3A_19 {strides = array<i32>} : memref<2x1024x64xf32, #tpu.memory_space<vmem>>, vector<2x1024x64xf32>,
    return
  }
  func.func @transform_0(%arg0: i32) -> (i32, i32) {
    %c0_i32 = arith.constant 0 : i32
    %c0_i32_0 = arith.constant 0 : i32
    return %arg0, %c0_i32 : i32, i32
  }
  func.func @transform_1(%arg0: i32) -> (i32, i32, i32) {
    %c0_i32 = arith.constant 0 : i32
    %c0_i32_0 = arith.constant 0 : i32
    %c0_i32_1 = arith.constant 0 : i32
    return %c0_i32, %arg0, %c0_i32_0 : i32, i32, i32
  }
  func.func @transform_2(%arg0: i32) -> (i32, i32, i32) {
    %c0_i32 = arith.constant 0 : i32
    %c0_i32_0 = arith.constant 0 : i32
    %c0_i32_1 = arith.constant 0 : i32
    return %c0_i32, %arg0, %c0_i32_0 : i32, i32, i32
  }
}

module attributes {stable_mosaic.version = 14 : i64} {
  func.func @_ffn_body(%arg0: i32, %arg1: memref<2000x128xf32, #tpu.memory_space<vmem>>, %arg2: memref<2000x64xf32, #tpu.memory_space<vmem>>, %arg3: memref<2000x64xf32, #tpu.memory_space<vmem>>, %arg4: memref<1x2000x16xf32, #tpu.memory_space<vmem>>, %arg5: memref<128x256xf32, #tpu.memory_space<vmem>>, %arg6: memref<1x128xf32, #tpu.memory_space<vmem>>, %arg7: memref<2000x128xf32, #tpu.memory_space<vmem>>) attributes {dimension_semantics = [#tpu.dimension_semantics<arbitrary>], iteration_bounds = array<i64: 5>, scalar_prefetch = 0 : i64, scratch_operands = 0 : i64, tpu.core_type = #tpu.core_type<tc>, window_params = [{transform_indices = @transform_0, window_bounds = array<i64: 2000, 128>}, {transform_indices = @transform_1, window_bounds = array<i64: 2000, 64>}, {transform_indices = @transform_2, window_bounds = array<i64: 2000, 64>}, {transform_indices = @transform_3, window_bounds = array<i64: 1, 2000, 16>}, {pipeline_mode = #tpu.pipeline_mode<synchronous>, transform_indices = @transform_4, window_bounds = array<i64: 128, 256>}, {pipeline_mode = #tpu.pipeline_mode<synchronous>, transform_indices = @transform_5, window_bounds = array<i64: 1, 128>}, {transform_indices = @transform_6, window_bounds = array<i64: 2000, 128>}]} {
    %get3A = arith.constant 0 : index
    %get3A_0 = arith.constant 0 : index
    %get3A_1 = arith.constant 0 : index
    %get3A_2 = vector.load %arg4[%get3A, %get3A_0, %get3A_1] : memref<1x2000x16xf32, #tpu.memory_space<vmem>>, vector<1x2000x1xf32>
    %get3A_3 = vector.shape_cast %get3A_2 : vector<1x2000x1xf32> to vector<2000x1xf32>
    %max3A = arith.constant 1.000000e+00 : f32
    %max3A_4 = vector.broadcast %max3A : f32 to vector<2000x1xf32>
    %max3A_5 = arith.maximumf %get3A_3, %max3A_4 : vector<2000x1xf32>
    %rsqrt3A = math.rsqrt %max3A_5 : vector<2000x1xf32>
    %get3A_6 = arith.constant 0 : index
    %get3A_7 = arith.constant 0 : index
    %get3A_8 = vector.load %arg2[%get3A_6, %get3A_7] : memref<2000x64xf32, #tpu.memory_space<vmem>>, vector<2000x64xf32>
    %get3A_9 = arith.constant 0 : index
    %get3A_10 = arith.constant 0 : index
    %get3A_11 = vector.load %arg3[%get3A_9, %get3A_10] : memref<2000x64xf32, #tpu.memory_space<vmem>>, vector<2000x64xf32>
    %concatenate3A = tpu.concatenate %get3A_8, %get3A_11 in 1 : vector<2000x64xf32>, vector<2000x64xf32> -> vector<2000x128xf32>
    %mul3A = vector.broadcast %rsqrt3A : vector<2000x1xf32> to vector<2000x128xf32>
    %mul3A_12 = arith.mulf %concatenate3A, %mul3A : vector<2000x128xf32>
    %get3A_13 = arith.constant 0 : index
    %get3A_14 = arith.constant 0 : index
    %get3A_15 = vector.load %arg5[%get3A_13, %get3A_14] : memref<128x256xf32, #tpu.memory_space<vmem>>, vector<128x256xf32>
    %get3A_16 = arith.constant 0 : index
    %get3A_17 = arith.constant 0 : index
    %get3A_18 = vector.load %arg1[%get3A_16, %get3A_17] : memref<2000x128xf32, #tpu.memory_space<vmem>>, vector<2000x128xf32>
    %slice3A = vector.extract_strided_slice %get3A_15 {offsets = [0, 0], sizes = [128, 128], strides = [1, 1]} : vector<128x256xf32> to vector<128x128xf32>
    %dot_general3A = arith.constant dense<0.000000e+00> : vector<2000x128xf32>
    %dot_general3A_19 = tpu.matmul %get3A_18, %slice3A, %dot_general3A {dimension_numbers = #tpu.dot_dimension_numbers<[1], [1], [0], [0], [0, 0, 1, 0], [], []>, transpose_lhs_hint = false} : vector<2000x128xf32>, vector<128x128xf32>, vector<2000x128xf32> -> vector<2000x128xf32>
    %slice3A_20 = vector.extract_strided_slice %get3A_15 {offsets = [0, 128], sizes = [128, 128], strides = [1, 1]} : vector<128x256xf32> to vector<128x128xf32>
    %dot_general3A_21 = arith.constant dense<0.000000e+00> : vector<2000x128xf32>
    %dot_general3A_22 = tpu.matmul %mul3A_12, %slice3A_20, %dot_general3A_21 {dimension_numbers = #tpu.dot_dimension_numbers<[1], [1], [0], [0], [0, 0, 1, 0], [], []>, transpose_lhs_hint = false} : vector<2000x128xf32>, vector<128x128xf32>, vector<2000x128xf32> -> vector<2000x128xf32>
    %add3A = arith.addf %dot_general3A_19, %dot_general3A_22 : vector<2000x128xf32>
    %get3A_23 = arith.constant 0 : index
    %get3A_24 = arith.constant 0 : index
    %get3A_25 = vector.load %arg6[%get3A_23, %get3A_24] : memref<1x128xf32, #tpu.memory_space<vmem>>, vector<1x128xf32>
    %add3A_26 = vector.broadcast %get3A_25 : vector<1x128xf32> to vector<2000x128xf32>
    %add3A_27 = arith.addf %add3A, %add3A_26 : vector<2000x128xf32>
    %swap3A = arith.constant 0 : index
    %swap3A_28 = arith.constant 0 : index
    %swap3A_29 = vector.load %arg7[%swap3A, %swap3A_28] : memref<2000x128xf32, #tpu.memory_space<vmem>>, vector<2000x128xf32>
    tpu.vector_store %arg7[%swap3A, %swap3A_28], %add3A_27 {strides = array<i32>} : memref<2000x128xf32, #tpu.memory_space<vmem>>, vector<2000x128xf32>,
    return
  }
  func.func @transform_0(%arg0: i32) -> (i32, i32) {
    %c0_i32 = arith.constant 0 : i32
    %c0_i32_0 = arith.constant 0 : i32
    return %arg0, %c0_i32 : i32, i32
  }
  func.func @transform_1(%arg0: i32) -> (i32, i32) {
    %c0_i32 = arith.constant 0 : i32
    %c0_i32_0 = arith.constant 0 : i32
    return %arg0, %c0_i32 : i32, i32
  }
  func.func @transform_2(%arg0: i32) -> (i32, i32) {
    %c0_i32 = arith.constant 0 : i32
    %c0_i32_0 = arith.constant 0 : i32
    return %arg0, %c0_i32 : i32, i32
  }
  func.func @transform_3(%arg0: i32) -> (i32, i32, i32) {
    %c1_i32 = arith.constant 1 : i32
    %c0_i32 = arith.constant 0 : i32
    %c0_i32_0 = arith.constant 0 : i32
    return %c1_i32, %arg0, %c0_i32 : i32, i32, i32
  }
  func.func @transform_4(%arg0: i32) -> (i32, i32) {
    %c0_i32 = arith.constant 0 : i32
    %c0_i32_0 = arith.constant 0 : i32
    %c0_i32_1 = arith.constant 0 : i32
    return %c0_i32, %c0_i32_0 : i32, i32
  }
  func.func @transform_5(%arg0: i32) -> (i32, i32) {
    %c0_i32 = arith.constant 0 : i32
    %c0_i32_0 = arith.constant 0 : i32
    %c0_i32_1 = arith.constant 0 : i32
    return %c0_i32, %c0_i32_0 : i32, i32
  }
  func.func @transform_6(%arg0: i32) -> (i32, i32) {
    %c0_i32 = arith.constant 0 : i32
    %c0_i32_0 = arith.constant 0 : i32
    return %arg0, %c0_i32 : i32, i32
  }
}

</mosaic_0001>

<sc_bundles>
// kernel: kernel.10.cloned.1.call-start
scs
__scs_entry_jumppad:
0x0: {  	(pc) =	sbr.rel $0x88, $3  }
0x1: {  	(tag) =	ssettag $0x0;
	lr =	simm.s32 $0x1  }
0x2: {  	[smem:$0x3F9B] =	sst lr;
	_ =	strace $0xD0000000  }
0x3: {  	_ = 	snop  }
0x4: {  	_ = 	snop  }
0x5: {  	_ = 	snop  }
0x6: {  	_ = 	snop  }
0x7: {  	_ = 	snop  }
__scs_overlays_trampoline_lowered:
0x8: {  	[smem:$0x3FAA] =	sst s0  }
0x9: {  	[smem:$0x3FAB] =	sst s1  }
0xa: {  	[smem:$0x3FAC] =	sst s2  }
0xb: {  	[smem:$0x3FAD] =	sst s3  }
0xc: {  	[smem:$0x3FAE] =	sst s4  }
0xd: {  	[smem:$0x3FAF] =	sst s5  }
0xe: {  	[smem:$0x3FB0] =	sst s6  }
0xf: {  	[smem:$0x3FB1] =	sst s7  }
0x10: {  	[smem:$0x3FB2] =	sst s8  }
0x11: {  	[smem:$0x3FB3] =	sst s9;
	s0 =	simm.s32 @!p0 $0x0  }
0x12: {  	s1 =	sld [smem:$0x3F99];
	s0 =	simm.s32 @p0 $0x1  }
0x13: {  	[smem:$0x3FB4] =	sst s0;
	s0 =	simm.s32 @!p1 $0x0  }
0x14: {  	s2 =	sld [smem:$0x3F98];
	s0 =	simm.s32 @p1 $0x1  }
0x15: {  	[smem:$0x3FB5] =	sst s0;
	s0 =	simm.s32 @!p2 $0x0  }
0x16: {  	s3 =	sld [smem:$0x3FDB];
	s0 =	simm.s32 @p2 $0x1  }
0x17: {  	s4 =	simm.s32 $0x1BF5;
	[smem:$0x3FB7] =	sst s0  }
0x18: {  	s0 =	sld [smem:$0x3F9A];
	_ =	swait.ge [sflag:s4], $0x0  }
0x19: {  	s7 =	sld [smem:$0x3F9B]  }
0x1a: {  	s8 =	sadd.s32 $0xFFFFE003, lr  }
0x1b: {  	s9 =	sadd.s32 $0xFFFFFEF7, lr;
	s5 =	simm.s32 $0xFFFFFFFF;
	p2 =	slt.u32 s8, $0xFFFFF086  }
0x1c: {  	p1 =	slt.u32 s9, $0xF7A;
	s5 =	simm.s32 @!p2 $0x0  }
0x1d: {  	s5 =	simm.s32 @p1 $0x1;
	p0 =	seq.s32 s7, s2  }
0x1e: {  	s7 =	smul.u32 @!p0 $0xF7A, s2;
	p2 =	seq.s32 @!p0 s5, $0x0  }
0x1f: {  	s9 =	smul.u32 $0xF7A, s1;
	s8 =	simm.s32 @!p0 $0x1BF5;
	p2 =	por !p2, p0  }
0x20: {  	[sflag:s8] =	ssyncset.s32 @!p0 $0xFFFFF086;
	s6 =	sadd.s32 @!p0 s3, s7;
	s7 =	simm.s32 @!p0 $0x108  }
0x21: {  	s3 =	sadd.s32 s3, s9;
	s6 =	sadd.s32 @!p0 $0x88, s6;
	s7 =	simm.s32 @p2 $0x1082  }
0x22: {  	[simem:s7], [sflag:s8] =	dma.local @!p0 [hbm:s6], $0xF7A  }
0x23: {  	s9 =	sor.u32 $0xD0000000, s2;
	s6 =	simm.s32 $0x108;
	_ =	swait.ge @!p0 [sflag:s8], $0x0  }
0x24: {  	s3 =	sadd.s32 $0x88, s3;
	s6 =	simm.s32 @!p1 $0x1082;
	[sflag:s4] =	ssyncset.s32 $0xFFFFF086  }
0x25: {  	[simem:s6], [sflag:s4] =	dma.local [hbm:s3], $0xF7A  }
0x26: {  	[smem:$0x3F9B] =	sst s1;
	(tag) =	ssettag s2;
	_ =	strace s9  }
0x27: {  	s1 =	sld [smem:$0x3FAB]  }
0x28: {  	s2 =	sld [smem:$0x3FAC]  }
0x29: {  	s4 =	sld [smem:$0x3FAE]  }
0x2a: {  	p0 =	seq.s32 s5, $0x0;
	s5 =	sld [smem:$0x3FAF]  }
0x2b: {  	s6 =	sld [smem:$0x3FB0]  }
0x2c: {  	s7 =	sld [smem:$0x3FB1]  }
0x2d: {  	s3 =	simm.s32 $0x108;
	s8 =	sld [smem:$0x3FB2]  }
0x2e: {  	s3 =	simm.s32 @!p0 $0x1082;
	s9 =	sld [smem:$0x3FB3]  }
0x2f: {  	lr =	sadd.s32 s0, s3;
	s0 =	sld [smem:$0x3FAA]  }
0x30: {  	s3 =	sld [smem:$0x3FAD]  }
0x31: {  	[smem:$0x3FB6] =	sst s10  }
0x32: {  	s10 =	sld [smem:$0x3FB4];
	_ =	sdelay $0x3  }
0x33: {  	p0 =	seq.s32 s10, $0x1;
	s10 =	sld [smem:$0x3FB6];
	_ =	sdelay $0x3  }
0x34: {  	[smem:$0x3FB6] =	sst s10  }
0x35: {  	s10 =	sld [smem:$0x3FB5];
	_ =	sdelay $0x3  }
0x36: {  	p1 =	seq.s32 s10, $0x1;
	s10 =	sld [smem:$0x3FB6];
	_ =	sdelay $0x3  }
0x37: {  	[smem:$0x3FB6] =	sst s10  }
0x38: {  	s10 =	sld [smem:$0x3FB7]  }
0x39: {  	_ = 	snop;
	(pc) =	sbr.ind lr, $3  }
0x3a: {  	_ = 	snop  }
0x3b: {  	_ = 	snop  }
0x3c: {  	p2 =	seq.s32 s10, $0x1;
	s10 =	sld [smem:$0x3FB6]  }
0x3d: {  	_ =	shalt  }
0x3e: {  	_ =	shalt  }
0x3f: {  	_ =	shalt  }
0x40: {  	_ =	shalt  }
0x41: {  	_ =	shalt  }
0x42: {  	_ =	shalt  }
0x43: {  	_ =	shalt  }
0x44: {  	_ =	shalt  }
0x45: {  	_ =	shalt  }
0x46: {  	_ =	shalt  }
0x47: {  	_ =	shalt  }
0x48: {  	_ =	shalt  }
0x49: {  	_ =	shalt  }
0x4a: {  	_ =	shalt  }
0x4b: {  	_ =	shalt  }
0x4c: {  	_ =	shalt  }
0x4d: {  	_ =	shalt  }
0x4e: {  	_ =	shalt  }
0x4f: {  	_ =	shalt  }
0x50: {  	_ =	shalt  }
0x51: {  	_ =	shalt  }
0x52: {  	_ =	shalt  }
0x53: {  	_ =	shalt  }
0x54: {  	_ =	shalt  }
0x55: {  	_ =	shalt  }
0x56: {  	_ =	shalt  }
0x57: {  	_ =	shalt  }
0x58: {  	_ =	shalt  }
0x59: {  	_ =	shalt  }
0x5a: {  	_ =	shalt  }
0x5b: {  	_ =	shalt  }
0x5c: {  	_ =	shalt  }
0x5d: {  	_ =	shalt  }
0x5e: {  	_ =	shalt  }
0x5f: {  	_ =	shalt  }
0x60: {  	_ =	shalt  }
0x61: {  	_ =	shalt  }
0x62: {  	_ =	shalt  }
0x63: {  	_ =	shalt  }
0x64: {  	_ =	shalt  }
0x65: {  	_ =	shalt  }
0x66: {  	_ =	shalt  }
0x67: {  	_ =	shalt  }
0x68: {  	_ =	shalt  }
0x69: {  	_ =	shalt  }
0x6a: {  	_ =	shalt  }
0x6b: {  	_ =	shalt  }
0x6c: {  	_ =	shalt  }
0x6d: {  	_ =	shalt  }
0x6e: {  	_ =	shalt  }
0x6f: {  	_ =	shalt  }
0x70: {  	_ =	shalt  }
0x71: {  	_ =	shalt  }
0x72: {  	_ =	shalt  }
0x73: {  	_ =	shalt  }
0x74: {  	_ =	shalt  }
0x75: {  	_ =	shalt  }
0x76: {  	_ =	shalt  }
0x77: {  	_ =	shalt  }
0x78: {  	_ =	shalt  }
0x79: {  	_ =	shalt  }
0x7a: {  	_ =	shalt  }
0x7b: {  	_ =	shalt  }
0x7c: {  	_ =	shalt  }
0x7d: {  	_ =	shalt  }
0x7e: {  	_ =	shalt  }
0x7f: {  	_ =	shalt  }
0x80: {  	_ =	shalt  }
0x81: {  	_ =	shalt  }
0x82: {  	_ =	shalt  }
0x83: {  	_ =	shalt  }
0x84: {  	_ =	shalt  }
0x85: {  	_ =	shalt  }
0x86: {  	_ =	shalt  }
0x87: {  	_ =	shalt  }
.Lfunc_end0:
.L_simem_size_0:
called_computation.1_lowered:
.L_overlay_start_0:
0x88: {  	s2 =	sld [smem:$0x3FD9]  }
0x89: {  	s3 =	sld [smem:$0x3FFE];
	_ =	sdelay $0x1  }
0x8a: {  	s1 =	srdreg.scid  }
0x8b: {  	s0 =	sand.u32 $0x1, s1  }
0x8c: {  	s17 =	sshll.u32 s0, $0xA;
	s2 =	sadd.s32 s3, s2  }
0x8d: {  	s2 =	sadd.s32 s2, s17  }
0x8e: {  	[smem:$0x3FC2] =	sst s2  }
0x8f: {  	_ = 	snop  }
0x90: {  	s2 =	sld [smem:$0x3FD0];
	(tm) =	ssettm $0x1  }
0x91: {  	s18 =	sld [smem:$0x3FFB];
	_ =	sdelay $0x3  }
0x92: {  	_ =	strace s18  }
0x93: {  	s3 =	sld [smem:$0x3FFC];
	_ =	sdelay $0x3  }
0x94: {  	_ =	strace s3  }
0x95: {  	s3 =	sld [smem:$0x3FFD];
	_ =	sdelay $0x3  }
0x96: {  	_ =	strace s3  }
0x97: {  	_ =	strace $0x8FFFFFFF  }
0x98: {  	s19 =	sld [smem:$0x3FDB];
	_ =	sdelay $0x1  }
0x99: {  	s4 =	simm.s32 $_scs_section_size  }
0x9a: {  	s5 =	simm.s32 $_size__tile_overlayer_lowered;
	s6 =	simm.s32 $_tile_overlayer_lowered  }
0x9b: {  	s22 =	simm.s32 $0x1BFF;
	s21 =	sshll.u32 s6, $0x1;
	s3 =	sadd.s32 s4, s19  }
0x9c: {  	s7 =	simm.s32 $0x0;
	s20 =	sshll.u32 s5, $0x1;
	s5 =	sadd.s32 s21, s3  }
0x9d: {  	[timem:s7], [sflag:s22] =	dma.local [hbm:s5], s20  }
0x9e: {  	_ =	swait.ge [sflag:s22], s20  }
0x9f: {  	s4 =	ssub.s32 $0x0, s20;
	[sflag:s22] =	ssyncset.done $0x0  }
0xa0: {  	[sflag:s22] =	ssyncadd.s32 s4;
	_ =	sdelay $0x1  }
0xa1: {  	s23 =	simm.s32 $0x1B8B  }
0xa2: {  	_ =	swait.ge [sflag:s23], $0x1  }
0xa3: {  	[sflag:s23] =	ssyncset.done $0x0  }
0xa4: {  	s25 =	simm.s32 $0x1B8E;
	s24 =	sld [smem:$0x3FFE];
	[sflag:s23] =	ssyncadd.s32 $0xFFFFFFFF  }
0xa5: {  	s26 =	simm.s32 $execute0_lowered;
	[smem:$0x3FD2] =	sst s25  }
0xa6: {  	s5 =	sshll.u32 s26, $0x1;
	_ =	strace $0x80000049;
	[dreg:$0x1] =	wrdreg $0xFFFFFFFF  }
0xa7: {  	s28 =	simm.s32 $_size_execute0_lowered;
	s3 =	sadd.s32 s3, s5;
	[dreg:$0x0] =	wrdreg $0x0  }
0xa8: {  	s5 =	sshll.u32 s28, $0x1;
	[dreg:$0x2] =	wrdreg s3  }
0xa9: {  	[dreg:$0x3] =	wrdreg s5  }
0xaa: {  	[dreg:$0x4] =	wrdreg $0xC0  }
0xab: {  	_ =	task [dreg:s7], $0x5FFFF  }
0xac: {  	[dreg:$0x1] =	wrdreg $0xFFFFFFFF  }
0xad: {  	[dreg:$0x0] =	wrdreg $0x60  }
0xae: {  	[dreg:$0x2] =	wrdreg s24  }
0xaf: {  	[dreg:$0x3] =	wrdreg s2  }
0xb0: {  	[dreg:$0x4] =	wrdreg $0x154000  }
0xb1: {  	[dreg:$0x5] =	wrdreg $0xB4000  }
0xb2: {  	[dreg:$0x6] =	wrdreg $0x9  }
0xb3: {  	_ =	task.clear_ibuf [dreg:s7], $0x7FFFF;
	_ =	strace $0x90000049  }
0xb4: {  	s29 =	simm.s32 $0x9;
	_ =	strace $0x8000004B  }
0xb5: {  	_ =	swait.ge [sflag:s29], $0x1  }
0xb6: {  	[sflag:s29] =	ssyncadd.s32 $0xFFFFFFFF  }
0xb7: {  	_ =	strace $0x9000004B  }
0xb8: {  	_ =	sfence  }
0xb9: {  	s30 =	sld [smem:$0x0];
	_ =	sdelay $0x2  }
0xba: {  	s31 =	sshll.u32 s1, $0xD;
	s1 =	sshrl.u32 s1, $0x2  }
0xbb: {  	s3 =	sand.u32 $0x4000, s31;
	s1 =	sadd.s32 s1, s30  }
0xbc: {  	s0 =	sor.u32 s3, s0;
	s1 =	sshll.u32 s1, $0x11  }
0xbd: {  	s0 =	sor.u32 s1, s0  }
0xbe: {  	s0 =	sadd.s32 $0x8F2B, s0  }
0xbf: {  	[sflag:s0] =	ssyncadd.remote.s32 $0x1  }
0xc0: {  	_ =	sfence.sel $0xFFFF  }
0xc1: {  	[dreg:$0x0] =	wrdreg $0xFFFFFFFF;
	(pc) =	sbr.abs _section_cstart, $3  }
0xc2: {  	[dreg:$0x1] =	wrdreg $0xFFFFFFFF  }
0xc3: {  	_ =	task.clear_ibuf [dreg:s7], $0x2FFFF;
	_ =	strace $0x9FFFFFFF  }
0xc4: {  	(tm) =	ssettm $0x7FFFFFFF  }
0xc5: {  	_ =	shalt  }
tec
execute0_lowered:
.L_overlay_start_1:
0x0: {  	(tag) =	ssettag $0x1  }
0x1: {  	s0 =	rddreg [dreg:$0x0]  }
0x2: {  	s1 =	rddreg [dreg:$0x1]  }
0x3: {  	s2 =	rddreg [dreg:$0x2]  }
0x4: {  	s3 =	rddreg [dreg:$0x3]  }
0x5: {  	s9 =	stileid.u32;
	s5 =	srdreg.scid;
	s4 =	simm.s32 $0x0  }
0x6: {  	s16 =	simm.s32 $0x100;
	[smem:$0x7FF] =	sst s4;
	s10 =	sadd.s32 $0x1A00, s0  }
0x7: {  	s17 =	simm.s32 $0x180;
	_ =	strace $0x8000004A;
	[dreg:$0x1d] =	wrdreg s10  }
0x8: {  	s18 =	simm.s32 $0x200;
	s19 =	simm.s32 $0xA80;
	[dreg:$0x6] =	wrdreg s16  }
0x9: {  	s21 =	simm.s32 $0xB00;
	s22 =	simm.s32 $0xB80;
	[dreg:$0x7] =	wrdreg s17  }
0xa: {  	s24 =	simm.s32 $0xC00;
	s26 =	simm.s32 $0x280;
	[dreg:$0x8] =	wrdreg s18  }
0xb: {  	s12 =	simm.s32 $0x400;
	s13 =	simm.s32 $0x480;
	[dreg:$0x9] =	wrdreg s19  }
0xc: {  	s28 =	simm.s32 $0x800;
	s29 =	simm.s32 $0x880;
	[dreg:$0xa] =	wrdreg s21  }
0xd: {  	s30 =	simm.s32 $0x900;
	s31 =	simm.s32 $0x980;
	[dreg:$0xb] =	wrdreg s22  }
0xe: {  	s6 =	smul.u32 $0xA000, s9;
	s5 =	sand.u32 $0x1, s5;
	[dreg:$0xc] =	wrdreg s24  }
0xf: {  	s7 =	smul.u32 $0xA00, s9;
	s25 =	sshll.u32 s9, $0x6;
	[dreg:$0xd] =	wrdreg s26  }
0x10: {  	s8 =	smul.u32 $0xA0000, s5;
	s5 =	ssub.s32 $0x2, s5;
	[dreg:$0x10] =	wrdreg s12  }
0x11: {  	s9 =	sor.u32 $0x1C03, s25;
	s10 =	simm.s32 $0x380;
	[dreg:$0x11] =	wrdreg s13  }
0x12: {  	s16 =	simm.s32 $0xD00;
	s17 =	simm.s32 $0xD80;
	[dreg:$0xf] =	wrdreg s10  }
0x13: {  	s19 =	simm.s32 $0xE00;
	s13 =	simm.s32 $0xA00;
	[dreg:$0x13] =	wrdreg s16  }
0x14: {  	s21 =	simm.s32 $0x500;
	s22 =	simm.s32 $0x580;
	[dreg:$0x14] =	wrdreg s17  }
0x15: {  	s24 =	simm.s32 $0x680;
	s25 =	simm.s32 $0x700;
	[dreg:$0x15] =	wrdreg s19  }
0x16: {  	s26 =	simm.s32 $0xF00;
	s12 =	simm.s32 $0x0;
	[dreg:$0x17] =	wrdreg s21  }
0x17: {  	s1 =	sadd.s32 s7, s1;
	s20 =	sshrl.u32 s5, $0x1;
	[dreg:$0x18] =	wrdreg s22  }
0x18: {  	s23 =	sadd.s32 s6, s2;
	s16 =	simm.s32 $0x3400;
	[dreg:$0x1a] =	wrdreg s24  }
0x19: {  	s17 =	simm.s32 $0x5400;
	s19 =	simm.s32 $0x9400;
	[dreg:$0x1b] =	wrdreg s25  }
0x1a: {  	s21 =	simm.s32 $0x2;
	[dreg:$0x1c] =	wrdreg s26;
	s22 =	simm.s32 $0xF80  }
0x1b: {  	s24 =	simm.s32 $0x1080;
	s25 =	simm.s32 $0x1100;
	[dreg:$0x1e] =	wrdreg s9  }
0x1c: {  	s26 =	simm.s32 $0x780;
	s15 =	sadd.s32 s6, s8;
	[dreg:$0x5] =	wrdreg s1  }
0x1d: {  	s5 =	ssub.s32 s5, s20;
	s8 =	simm.s32 $0x300;
	s6 =	sadd.s32 s6, s3  }
0x1e: {  	s10 =	sshrl.u32 s23, $0x3;
	s20 =	simm.s32 $0xE80;
	[dreg:$0xe] =	wrdreg s8  }
0x1f: {  	s23 =	simm.s32 $0x600;
	s1 =	simm.s32 $0x1200;
	[dreg:$0x16] =	wrdreg s20  }
0x20: {  	s7 =	sshrl.u32 s15, $0x3;
	s14 =	smax.u32 s5, $0x1;
	[dreg:$0x19] =	wrdreg s23  }
0x21: {  	s15 =	simm.s32 $0xC80;
	s18 =	sshrl.u32 s6, $0x3;
	[smem:$0x7FD] =	sst s10  }
0x22: {  	s20 =	simm.s32 $0x1;
	s23 =	simm.s32 $0x1000;
	[smem:$0x7FB] =	sst s14  }
0x23: {  	s5 =	simm.s32 $0x1280;
	s8 =	simm.s32 $0x1380;
	[dreg:$0x12] =	wrdreg s15  }
0x24: {  	s0 =	sadd.s32 s7, s0;
	[smem:$0x7FC] =	sst s18;
	s14 =	simm.s32 $0x80  }
0x25: {  	s15 =	simm.s32 $0x1400;
	s18 =	simm.s32 $0x7400;
	s11 =	sadd.s32 $0x5C200, s0  }
0x26: {  	s7 =	simm.s32 $0x1300;
	s0 =	sadd.s32 $0x84200, s0;
	[dreg:$0x1f] =	wrdreg s11  }
0x27: {  	[smem:$0x7FA] =	sst s0;
	s11 =	simm.s32 $0x3;
	s0 =	simm.s32 $0x1180  }
.LBB2_1:
0x28: {  	[smem:$0x7F9] =	sst s12  }
0x29: {  	s6 =	rddreg [dreg:$0x1d]  }
0x2a: {  	[spmem:s10], [sflag:s9] =	dma.local [hbm:s6], $0x1400  }
0x2b: {  	_ =	swait.ge [sflag:s11], $0x1400  }
0x2c: {  	s12 =	sld [smem:$0x7FC]  }
0x2d: {  	[sflag:s11] =	ssyncset.done $0x0  }
0x2e: {  	s10 =	rddreg [dreg:$0x1f];
	[sflag:s11] =	ssyncadd.s32 $0xFFFFEC00  }
0x2f: {  	[spmem:s12], [sflag:s9] =	dma.local [hbm:s10], $0x1400  }
0x30: {  	_ =	swait.ge [sflag:s11], $0x1400  }
0x31: {  	[sflag:s11] =	ssyncset.done $0x0  }
0x32: {  	[sflag:s11] =	ssyncadd.s32 $0xFFFFEC00  }
0x33: {  	[bflag:$0x0] =	sbarrier.arrive $0xFFFF  }
0x34: {  	s9 =	rddreg [dreg:$0x5]  }
0x35: {  	s6 =	sadd.s32 $0x0, s9  }
0x36: {  	[tilespmem:s4], [sflag:$0x3] =	stream.linear.gather [hbm4b:s6+s4], $0xA00, $0x38;
	[tilespmem:$0x1F400] =	vst v63  }
0x37: {  	_ =	swait.ge [sflag:s11], $0xA00  }
0x38: {  	[sflag:s11] =	ssyncset.done $0x0  }
0x39: {  	s6 =	sadd.s32 $0xA000, s6;
	[sflag:s11] =	ssyncadd.s32 $0xFFFFF600  }
0x3a: {  	[tilespmem:s13], [sflag:$0x3] =	stream.linear.gather [hbm4b:s6+s4], $0xA00, $0x38;
	[tilespmem:$0x1F400] =	vst v63  }
0x3b: {  	_ =	swait.ge [sflag:s11], $0xA00  }
0x3c: {  	[sflag:s11] =	ssyncset.done $0x0  }
0x3d: {  	[sflag:s11] =	ssyncadd.s32 $0xFFFFF600  }
0x3e: {  	[tilespmem:s15], [sflag:$0x1] =	stream.indirect.gather [spmem:s3], $0x40, s4, s14, $0xb8;
	[tilespmem:$0x1F400] =	vst v63  }
0x3f: {  	_ = 	snop  }
0x40: {  	[tilespmem:s16], [sflag:$0x1] =	stream.indirect.gather [spmem:s3], $0x40, s14, s14, $0xb8;
	[tilespmem:$0x1F400] =	vst v63  }
0x41: {  	s10 =	rddreg [dreg:$0x6]  }
0x42: {  	[tilespmem:s17], [sflag:$0x1] =	stream.indirect.gather [spmem:s3], $0x40, s10, s14, $0xb8;
	[tilespmem:$0x1F400] =	vst v63  }
0x43: {  	s12 =	rddreg [dreg:$0x7]  }
0x44: {  	[tilespmem:s18], [sflag:$0x1] =	stream.indirect.gather [spmem:s3], $0x40, s12, s14, $0xb8;
	[tilespmem:$0x1F400] =	vst v63  }
0x45: {  	s9 =	rddreg [dreg:$0x8]  }
0x46: {  	[tilespmem:s19], [sflag:$0x1] =	stream.indirect.gather [spmem:s3], $0x40, s9, s14, $0xb8;
	[tilespmem:$0x1F400] =	vst v63  }
0x47: {  	_ =	swait.ge [sflag:s20], $0x2000  }
0x48: {  	[sflag:s20] =	ssyncset.done $0x0  }
0x49: {  	[sflag:s20] =	ssyncadd.s32 $0xFFFFE000  }
0x4a: {  	[spmem:s2] =	stream.indirect.scatter.add.f32 [tilespmem:s15], [sflag:$0x2], $0x40, s13, s14, $0xb8;
	[tilespmem:$0x1F400] =	vst v63  }
0x4b: {  	_ =	swait.ge [sflag:s20], $0x2000  }
0x4c: {  	[sflag:s20] =	ssyncset.done $0x0  }
0x4d: {  	s10 =	rddreg [dreg:$0x9];
	[sflag:s20] =	ssyncadd.s32 $0xFFFFE000  }
0x4e: {  	[spmem:s2] =	stream.indirect.scatter.add.f32 [tilespmem:s16], [sflag:$0x2], $0x40, s10, s14, $0xb8;
	[tilespmem:$0x1F400] =	vst v63  }
0x4f: {  	_ =	swait.ge [sflag:s20], $0x2000  }
0x50: {  	[sflag:s20] =	ssyncset.done $0x0  }
0x51: {  	s12 =	rddreg [dreg:$0xa];
	[sflag:s20] =	ssyncadd.s32 $0xFFFFE000  }
0x52: {  	[spmem:s2] =	stream.indirect.scatter.add.f32 [tilespmem:s17], [sflag:$0x2], $0x40, s12, s14, $0xb8;
	[tilespmem:$0x1F400] =	vst v63  }
0x53: {  	_ =	swait.ge [sflag:s20], $0x2000  }
0x54: {  	[sflag:s20] =	ssyncset.done $0x0  }
0x55: {  	s9 =	rddreg [dreg:$0xb];
	[sflag:s20] =	ssyncadd.s32 $0xFFFFE000  }
0x56: {  	[spmem:s2] =	stream.indirect.scatter.add.f32 [tilespmem:s18], [sflag:$0x2], $0x40, s9, s14, $0xb8;
	[tilespmem:$0x1F400] =	vst v63  }
0x57: {  	_ =	swait.ge [sflag:s20], $0x2000  }
0x58: {  	[sflag:s20] =	ssyncset.done $0x0  }
0x59: {  	s10 =	rddreg [dreg:$0xc];
	[sflag:s20] =	ssyncadd.s32 $0xFFFFE000  }
0x5a: {  	[spmem:s2] =	stream.indirect.scatter.add.f32 [tilespmem:s19], [sflag:$0x2], $0x40, s10, s14, $0xb8;
	[tilespmem:$0x1F400] =	vst v63  }
0x5b: {  	_ =	swait.ge [sflag:s21], $0x2000  }
0x5c: {  	[sflag:s21] =	ssyncset.done $0x0  }
0x5d: {  	s12 =	rddreg [dreg:$0xd];
	[sflag:s21] =	ssyncadd.s32 $0xFFFFE000  }
0x5e: {  	[tilespmem:s15], [sflag:$0x1] =	stream.indirect.gather [spmem:s3], $0x40, s12, s14, $0xb8;
	[tilespmem:$0x1F400] =	vst v63  }
0x5f: {  	_ =	swait.ge [sflag:s21], $0x2000  }
0x60: {  	[sflag:s21] =	ssyncset.done $0x0  }
0x61: {  	s9 =	rddreg [dreg:$0xe];
	[sflag:s21] =	ssyncadd.s32 $0xFFFFE000  }
0x62: {  	[tilespmem:s16], [sflag:$0x1] =	stream.indirect.gather [spmem:s3], $0x40, s9, s14, $0xb8;
	[tilespmem:$0x1F400] =	vst v63  }
0x63: {  	_ =	swait.ge [sflag:s21], $0x2000  }
0x64: {  	[sflag:s21] =	ssyncset.done $0x0  }
0x65: {  	s10 =	rddreg [dreg:$0xf];
	[sflag:s21] =	ssyncadd.s32 $0xFFFFE000  }
0x66: {  	[tilespmem:s17], [sflag:$0x1] =	stream.indirect.gather [spmem:s3], $0x40, s10, s14, $0xb8;
	[tilespmem:$0x1F400] =	vst v63  }
0x67: {  	_ =	swait.ge [sflag:s21], $0x2000  }
0x68: {  	[sflag:s21] =	ssyncset.done $0x0  }
0x69: {  	s12 =	rddreg [dreg:$0x10];
	[sflag:s21] =	ssyncadd.s32 $0xFFFFE000  }
0x6a: {  	[tilespmem:s18], [sflag:$0x1] =	stream.indirect.gather [spmem:s3], $0x40, s12, s14, $0xb8;
	[tilespmem:$0x1F400] =	vst v63  }
0x6b: {  	_ =	swait.ge [sflag:s21], $0x2000  }
0x6c: {  	[sflag:s21] =	ssyncset.done $0x0  }
0x6d: {  	s9 =	rddreg [dreg:$0x11];
	[sflag:s21] =	ssyncadd.s32 $0xFFFFE000  }
0x6e: {  	[tilespmem:s19], [sflag:$0x1] =	stream.indirect.gather [spmem:s3], $0x40, s9, s14, $0xb8;
	[tilespmem:$0x1F400] =	vst v63  }
0x6f: {  	_ =	swait.ge [sflag:s20], $0x2000  }
0x70: {  	[sflag:s20] =	ssyncset.done $0x0  }
0x71: {  	s10 =	rddreg [dreg:$0x12];
	[sflag:s20] =	ssyncadd.s32 $0xFFFFE000  }
0x72: {  	[spmem:s2] =	stream.indirect.scatter.add.f32 [tilespmem:s15], [sflag:$0x2], $0x40, s10, s14, $0xb8;
	[tilespmem:$0x1F400] =	vst v63  }
0x73: {  	_ =	swait.ge [sflag:s20], $0x2000  }
0x74: {  	[sflag:s20] =	ssyncset.done $0x0  }
0x75: {  	s12 =	rddreg [dreg:$0x13];
	[sflag:s20] =	ssyncadd.s32 $0xFFFFE000  }
0x76: {  	[spmem:s2] =	stream.indirect.scatter.add.f32 [tilespmem:s16], [sflag:$0x2], $0x40, s12, s14, $0xb8;
	[tilespmem:$0x1F400] =	vst v63  }
0x77: {  	_ =	swait.ge [sflag:s20], $0x2000  }
0x78: {  	[sflag:s20] =	ssyncset.done $0x0  }
0x79: {  	s9 =	rddreg [dreg:$0x14];
	[sflag:s20] =	ssyncadd.s32 $0xFFFFE000  }
0x7a: {  	[spmem:s2] =	stream.indirect.scatter.add.f32 [tilespmem:s17], [sflag:$0x2], $0x40, s9, s14, $0xb8;
	[tilespmem:$0x1F400] =	vst v63  }
0x7b: {  	_ =	swait.ge [sflag:s20], $0x2000  }
0x7c: {  	[sflag:s20] =	ssyncset.done $0x0  }
0x7d: {  	s10 =	rddreg [dreg:$0x15];
	[sflag:s20] =	ssyncadd.s32 $0xFFFFE000  }
0x7e: {  	[spmem:s2] =	stream.indirect.scatter.add.f32 [tilespmem:s18], [sflag:$0x2], $0x40, s10, s14, $0xb8;
	[tilespmem:$0x1F400] =	vst v63  }
0x7f: {  	_ =	swait.ge [sflag:s20], $0x2000  }
0x80: {  	[sflag:s20] =	ssyncset.done $0x0  }
0x81: {  	s12 =	rddreg [dreg:$0x16];
	[sflag:s20] =	ssyncadd.s32 $0xFFFFE000  }
0x82: {  	[spmem:s2] =	stream.indirect.scatter.add.f32 [tilespmem:s19], [sflag:$0x2], $0x40, s12, s14, $0xb8;
	[tilespmem:$0x1F400] =	vst v63  }
0x83: {  	_ =	swait.ge [sflag:s21], $0x2000  }
0x84: {  	[sflag:s21] =	ssyncset.done $0x0  }
0x85: {  	s9 =	rddreg [dreg:$0x17];
	[sflag:s21] =	ssyncadd.s32 $0xFFFFE000  }
0x86: {  	[tilespmem:s15], [sflag:$0x1] =	stream.indirect.gather [spmem:s3], $0x40, s9, s14, $0xb8;
	[tilespmem:$0x1F400] =	vst v63  }
0x87: {  	_ =	swait.ge [sflag:s21], $0x2000  }
0x88: {  	[sflag:s21] =	ssyncset.done $0x0  }
0x89: {  	s10 =	rddreg [dreg:$0x18];
	[sflag:s21] =	ssyncadd.s32 $0xFFFFE000  }
0x8a: {  	[tilespmem:s16], [sflag:$0x1] =	stream.indirect.gather [spmem:s3], $0x40, s10, s14, $0xb8;
	[tilespmem:$0x1F400] =	vst v63  }
0x8b: {  	_ =	swait.ge [sflag:s21], $0x2000  }
0x8c: {  	[sflag:s21] =	ssyncset.done $0x0  }
0x8d: {  	s12 =	rddreg [dreg:$0x19];
	[sflag:s21] =	ssyncadd.s32 $0xFFFFE000  }
0x8e: {  	[tilespmem:s17], [sflag:$0x1] =	stream.indirect.gather [spmem:s3], $0x40, s12, s14, $0xb8;
	[tilespmem:$0x1F400] =	vst v63  }
0x8f: {  	_ =	swait.ge [sflag:s21], $0x2000  }
0x90: {  	[sflag:s21] =	ssyncset.done $0x0  }
0x91: {  	s9 =	rddreg [dreg:$0x1a];
	[sflag:s21] =	ssyncadd.s32 $0xFFFFE000  }
0x92: {  	[tilespmem:s18], [sflag:$0x1] =	stream.indirect.gather [spmem:s3], $0x40, s9, s14, $0xb8;
	[tilespmem:$0x1F400] =	vst v63  }
0x93: {  	_ =	swait.ge [sflag:s21], $0x2000  }
0x94: {  	[sflag:s21] =	ssyncset.done $0x0  }
0x95: {  	s10 =	rddreg [dreg:$0x1b];
	[sflag:s21] =	ssyncadd.s32 $0xFFFFE000  }
0x96: {  	[tilespmem:s19], [sflag:$0x1] =	stream.indirect.gather [spmem:s3], $0x40, s10, s14, $0xb8;
	[tilespmem:$0x1F400] =	vst v63  }
0x97: {  	_ =	swait.ge [sflag:s20], $0x2000  }
0x98: {  	[sflag:s20] =	ssyncset.done $0x0  }
0x99: {  	s12 =	rddreg [dreg:$0x1c];
	[sflag:s20] =	ssyncadd.s32 $0xFFFFE000  }
0x9a: {  	[spmem:s2] =	stream.indirect.scatter.add.f32 [tilespmem:s15], [sflag:$0x2], $0x40, s12, s14, $0xb8;
	[tilespmem:$0x1F400] =	vst v63  }
0x9b: {  	_ =	swait.ge [sflag:s20], $0x2000  }
0x9c: {  	[sflag:s20] =	ssyncset.done $0x0  }
0x9d: {  	[sflag:s20] =	ssyncadd.s32 $0xFFFFE000  }
0x9e: {  	[spmem:s2] =	stream.indirect.scatter.add.f32 [tilespmem:s16], [sflag:$0x2], $0x40, s22, s14, $0xb8;
	[tilespmem:$0x1F400] =	vst v63  }
0x9f: {  	_ =	swait.ge [sflag:s20], $0x2000  }
0xa0: {  	[sflag:s20] =	ssyncset.done $0x0  }
0xa1: {  	[sflag:s20] =	ssyncadd.s32 $0xFFFFE000  }
0xa2: {  	[spmem:s2] =	stream.indirect.scatter.add.f32 [tilespmem:s17], [sflag:$0x2], $0x40, s23, s14, $0xb8;
	[tilespmem:$0x1F400] =	vst v63  }
0xa3: {  	_ =	swait.ge [sflag:s20], $0x2000  }
0xa4: {  	[sflag:s20] =	ssyncset.done $0x0  }
0xa5: {  	[sflag:s20] =	ssyncadd.s32 $0xFFFFE000  }
0xa6: {  	[spmem:s2] =	stream.indirect.scatter.add.f32 [tilespmem:s18], [sflag:$0x2], $0x40, s24, s14, $0xb8;
	[tilespmem:$0x1F400] =	vst v63  }
0xa7: {  	_ =	swait.ge [sflag:s20], $0x2000  }
0xa8: {  	[sflag:s20] =	ssyncset.done $0x0  }
0xa9: {  	[sflag:s20] =	ssyncadd.s32 $0xFFFFE000  }
0xaa: {  	[spmem:s2] =	stream.indirect.scatter.add.f32 [tilespmem:s19], [sflag:$0x2], $0x40, s25, s14, $0xb8;
	[tilespmem:$0x1F400] =	vst v63  }
0xab: {  	_ =	swait.ge [sflag:s21], $0x2000  }
0xac: {  	[sflag:s21] =	ssyncset.done $0x0  }
0xad: {  	[sflag:s21] =	ssyncadd.s32 $0xFFFFE000  }
0xae: {  	[tilespmem:s15], [sflag:$0x1] =	stream.indirect.gather [spmem:s3], $0x40, s26, s14, $0xb8;
	[tilespmem:$0x1F400] =	vst v63  }
0xaf: {  	_ =	swait.ge [sflag:s21], $0x2000  }
0xb0: {  	[sflag:s21] =	ssyncset.done $0x0  }
0xb1: {  	[sflag:s21] =	ssyncadd.s32 $0xFFFFE000  }
0xb2: {  	[tilespmem:s16], [sflag:$0x1] =	stream.indirect.gather [spmem:s3], $0x40, s28, s14, $0xb8;
	[tilespmem:$0x1F400] =	vst v63  }
0xb3: {  	_ =	swait.ge [sflag:s21], $0x2000  }
0xb4: {  	[sflag:s21] =	ssyncset.done $0x0  }
0xb5: {  	[sflag:s21] =	ssyncadd.s32 $0xFFFFE000  }
0xb6: {  	[tilespmem:s17], [sflag:$0x1] =	stream.indirect.gather [spmem:s3], $0x40, s29, s14, $0xb8;
	[tilespmem:$0x1F400] =	vst v63  }
0xb7: {  	_ =	swait.ge [sflag:s21], $0x2000  }
0xb8: {  	[sflag:s21] =	ssyncset.done $0x0  }
0xb9: {  	[sflag:s21] =	ssyncadd.s32 $0xFFFFE000  }
0xba: {  	[tilespmem:s18], [sflag:$0x1] =	stream.indirect.gather [spmem:s3], $0x40, s30, s14, $0xb8;
	[tilespmem:$0x1F400] =	vst v63  }
0xbb: {  	_ =	swait.ge [sflag:s21], $0x2000  }
0xbc: {  	[sflag:s21] =	ssyncset.done $0x0  }
0xbd: {  	[sflag:s21] =	ssyncadd.s32 $0xFFFFE000  }
0xbe: {  	[tilespmem:s19], [sflag:$0x1] =	stream.indirect.gather [spmem:s3], $0x40, s31, s14, $0xb8;
	[tilespmem:$0x1F400] =	vst v63  }
0xbf: {  	_ =	swait.ge [sflag:s20], $0x2000  }
0xc0: {  	[sflag:s20] =	ssyncset.done $0x0  }
0xc1: {  	[sflag:s20] =	ssyncadd.s32 $0xFFFFE000  }
0xc2: {  	[spmem:s2] =	stream.indirect.scatter.add.f32 [tilespmem:s15], [sflag:$0x2], $0x40, s0, s14, $0xb8;
	[tilespmem:$0x1F400] =	vst v63  }
0xc3: {  	_ =	swait.ge [sflag:s20], $0x2000  }
0xc4: {  	[sflag:s20] =	ssyncset.done $0x0  }
0xc5: {  	[sflag:s20] =	ssyncadd.s32 $0xFFFFE000  }
0xc6: {  	[spmem:s2] =	stream.indirect.scatter.add.f32 [tilespmem:s16], [sflag:$0x2], $0x40, s1, s14, $0xb8;
	[tilespmem:$0x1F400] =	vst v63  }
0xc7: {  	_ =	swait.ge [sflag:s20], $0x2000  }
0xc8: {  	[sflag:s20] =	ssyncset.done $0x0  }
0xc9: {  	[sflag:s20] =	ssyncadd.s32 $0xFFFFE000  }
0xca: {  	[spmem:s2] =	stream.indirect.scatter.add.f32 [tilespmem:s17], [sflag:$0x2], $0x40, s5, s14, $0xb8;
	[tilespmem:$0x1F400] =	vst v63  }
0xcb: {  	_ =	swait.ge [sflag:s20], $0x2000  }
0xcc: {  	[sflag:s20] =	ssyncset.done $0x0  }
0xcd: {  	[sflag:s20] =	ssyncadd.s32 $0xFFFFE000  }
0xce: {  	[spmem:s2] =	stream.indirect.scatter.add.f32 [tilespmem:s18], [sflag:$0x2], $0x40, s7, s14, $0xb8;
	[tilespmem:$0x1F400] =	vst v63  }
0xcf: {  	_ =	swait.ge [sflag:s20], $0x2000  }
0xd0: {  	[sflag:s20] =	ssyncset.done $0x0  }
0xd1: {  	[sflag:s20] =	ssyncadd.s32 $0xFFFFE000  }
0xd2: {  	[spmem:s2] =	stream.indirect.scatter.add.f32 [tilespmem:s19], [sflag:$0x2], $0x40, s8, s14, $0xb8;
	[tilespmem:$0x1F400] =	vst v63  }
0xd3: {  	_ =	swait.ge [sflag:s21], $0x2000  }
0xd4: {  	[sflag:s21] =	ssyncset.done $0x0  }
0xd5: {  	[sflag:s21] =	ssyncadd.s32 $0xFFFFE000  }
0xd6: {  	_ =	swait.ge [sflag:s21], $0x2000  }
0xd7: {  	[sflag:s21] =	ssyncset.done $0x0  }
0xd8: {  	[sflag:s21] =	ssyncadd.s32 $0xFFFFE000  }
0xd9: {  	_ =	swait.ge [sflag:s21], $0x2000  }
0xda: {  	[sflag:s21] =	ssyncset.done $0x0  }
0xdb: {  	[sflag:s21] =	ssyncadd.s32 $0xFFFFE000  }
0xdc: {  	_ =	swait.ge [sflag:s21], $0x2000  }
0xdd: {  	[sflag:s21] =	ssyncset.done $0x0  }
0xde: {  	[sflag:s21] =	ssyncadd.s32 $0xFFFFE000  }
0xdf: {  	s10 =	simm.s32 $0x280;
	_ =	swait.ge [sflag:s21], $0x2000  }
0xe0: {  	s12 =	simm.s32 $0x140;
	s6 =	rddreg [dreg:$0x5];
	[sflag:s21] =	ssyncset.done $0x0  }
.LBB2_2:
0xe1: {  	[sflag:s21] =	ssyncadd.s32 $0xFFFFE000;
	s6 =	sadd.s32 s12, s6  }
0xe2: {  	[tilespmem:s4], [sflag:$0x3] =	stream.linear.gather [hbm4b:s6+s4], $0xA00, $0x38;
	[tilespmem:$0x1F400] =	vst v63  }
0xe3: {  	_ =	swait.ge [sflag:s11], $0xA00  }
0xe4: {  	[sflag:s11] =	ssyncset.done $0x0  }
0xe5: {  	s6 =	sadd.s32 $0xA000, s6;
	[sflag:s11] =	ssyncadd.s32 $0xFFFFF600  }
0xe6: {  	[tilespmem:s13], [sflag:$0x3] =	stream.linear.gather [hbm4b:s6+s4], $0xA00, $0x38;
	[tilespmem:$0x1F400] =	vst v63  }
0xe7: {  	_ =	swait.ge [sflag:s11], $0xA00  }
0xe8: {  	[sflag:s11] =	ssyncset.done $0x0  }
0xe9: {  	[sflag:s11] =	ssyncadd.s32 $0xFFFFF600  }
0xea: {  	[tilespmem:s15], [sflag:$0x1] =	stream.indirect.gather [spmem:s3], $0x40, s4, s14, $0xb8;
	[tilespmem:$0x1F400] =	vst v63  }
0xeb: {  	_ = 	snop  }
0xec: {  	[tilespmem:s16], [sflag:$0x1] =	stream.indirect.gather [spmem:s3], $0x40, s14, s14, $0xb8;
	[tilespmem:$0x1F400] =	vst v63  }
0xed: {  	s9 =	smov.u32 s10;
	s6 =	rddreg [dreg:$0x6]  }
0xee: {  	[tilespmem:s17], [sflag:$0x1] =	stream.indirect.gather [spmem:s3], $0x40, s6, s14, $0xb8;
	[tilespmem:$0x1F400] =	vst v63  }
0xef: {  	s12 =	smov.u32 s9;
	s9 =	rddreg [dreg:$0x7]  }
0xf0: {  	[tilespmem:s18], [sflag:$0x1] =	stream.indirect.gather [spmem:s3], $0x40, s9, s14, $0xb8;
	[tilespmem:$0x1F400] =	vst v63  }
0xf1: {  	s6 =	rddreg [dreg:$0x8]  }
0xf2: {  	[tilespmem:s19], [sflag:$0x1] =	stream.indirect.gather [spmem:s3], $0x40, s6, s14, $0xb8;
	[tilespmem:$0x1F400] =	vst v63  }
0xf3: {  	_ =	swait.ge [sflag:s20], $0x2000  }
0xf4: {  	[sflag:s20] =	ssyncset.done $0x0  }
0xf5: {  	[sflag:s20] =	ssyncadd.s32 $0xFFFFE000  }
0xf6: {  	[spmem:s2] =	stream.indirect.scatter.add.f32 [tilespmem:s15], [sflag:$0x2], $0x40, s13, s14, $0xb8;
	[tilespmem:$0x1F400] =	vst v63  }
0xf7: {  	_ =	swait.ge [sflag:s20], $0x2000  }
0xf8: {  	[sflag:s20] =	ssyncset.done $0x0  }
0xf9: {  	s9 =	rddreg [dreg:$0x9];
	[sflag:s20] =	ssyncadd.s32 $0xFFFFE000  }
0xfa: {  	[spmem:s2] =	stream.indirect.scatter.add.f32 [tilespmem:s16], [sflag:$0x2], $0x40, s9, s14, $0xb8;
	[tilespmem:$0x1F400] =	vst v63  }
0xfb: {  	_ =	swait.ge [sflag:s20], $0x2000  }
0xfc: {  	[sflag:s20] =	ssyncset.done $0x0  }
0xfd: {  	s9 =	rddreg [dreg:$0xa];
	[sflag:s20] =	ssyncadd.s32 $0xFFFFE000  }
0xfe: {  	[spmem:s2] =	stream.indirect.scatter.add.f32 [tilespmem:s17], [sflag:$0x2], $0x40, s9, s14, $0xb8;
	[tilespmem:$0x1F400] =	vst v63  }
0xff: {  	_ =	swait.ge [sflag:s20], $0x2000  }
0x100: {  	[sflag:s20] =	ssyncset.done $0x0  }
0x101: {  	s9 =	rddreg [dreg:$0xb];
	[sflag:s20] =	ssyncadd.s32 $0xFFFFE000  }
0x102: {  	[spmem:s2] =	stream.indirect.scatter.add.f32 [tilespmem:s18], [sflag:$0x2], $0x40, s9, s14, $0xb8;
	[tilespmem:$0x1F400] =	vst v63  }
0x103: {  	_ =	swait.ge [sflag:s20], $0x2000  }
0x104: {  	[sflag:s20] =	ssyncset.done $0x0  }
0x105: {  	s9 =	rddreg [dreg:$0xc];
	[sflag:s20] =	ssyncadd.s32 $0xFFFFE000  }
0x106: {  	[spmem:s2] =	stream.indirect.scatter.add.f32 [tilespmem:s19], [sflag:$0x2], $0x40, s9, s14, $0xb8;
	[tilespmem:$0x1F400] =	vst v63  }
0x107: {  	_ =	swait.ge [sflag:s21], $0x2000  }
0x108: {  	[sflag:s21] =	ssyncset.done $0x0  }
0x109: {  	s9 =	rddreg [dreg:$0xd];
	[sflag:s21] =	ssyncadd.s32 $0xFFFFE000  }
0x10a: {  	[tilespmem:s15], [sflag:$0x1] =	stream.indirect.gather [spmem:s3], $0x40, s9, s14, $0xb8;
	[tilespmem:$0x1F400] =	vst v63  }
0x10b: {  	_ =	swait.ge [sflag:s21], $0x2000  }
0x10c: {  	[sflag:s21] =	ssyncset.done $0x0  }
0x10d: {  	s9 =	rddreg [dreg:$0xe];
	[sflag:s21] =	ssyncadd.s32 $0xFFFFE000  }
0x10e: {  	[tilespmem:s16], [sflag:$0x1] =	stream.indirect.gather [spmem:s3], $0x40, s9, s14, $0xb8;
	[tilespmem:$0x1F400] =	vst v63  }
0x10f: {  	_ =	swait.ge [sflag:s21], $0x2000  }
0x110: {  	[sflag:s21] =	ssyncset.done $0x0  }
0x111: {  	s9 =	rddreg [dreg:$0xf];
	[sflag:s21] =	ssyncadd.s32 $0xFFFFE000  }
0x112: {  	[tilespmem:s17], [sflag:$0x1] =	stream.indirect.gather [spmem:s3], $0x40, s9, s14, $0xb8;
	[tilespmem:$0x1F400] =	vst v63  }
0x113: {  	_ =	swait.ge [sflag:s21], $0x2000  }
0x114: {  	[sflag:s21] =	ssyncset.done $0x0  }
0x115: {  	s9 =	rddreg [dreg:$0x10];
	[sflag:s21] =	ssyncadd.s32 $0xFFFFE000  }
0x116: {  	[tilespmem:s18], [sflag:$0x1] =	stream.indirect.gather [spmem:s3], $0x40, s9, s14, $0xb8;
	[tilespmem:$0x1F400] =	vst v63  }
0x117: {  	_ =	swait.ge [sflag:s21], $0x2000  }
0x118: {  	[sflag:s21] =	ssyncset.done $0x0  }
0x119: {  	s9 =	rddreg [dreg:$0x11];
	[sflag:s21] =	ssyncadd.s32 $0xFFFFE000  }
0x11a: {  	[tilespmem:s19], [sflag:$0x1] =	stream.indirect.gather [spmem:s3], $0x40, s9, s14, $0xb8;
	[tilespmem:$0x1F400] =	vst v63  }
0x11b: {  	_ =	swait.ge [sflag:s20], $0x2000  }
0x11c: {  	[sflag:s20] =	ssyncset.done $0x0  }
0x11d: {  	s9 =	rddreg [dreg:$0x12];
	[sflag:s20] =	ssyncadd.s32 $0xFFFFE000  }
0x11e: {  	[spmem:s2] =	stream.indirect.scatter.add.f32 [tilespmem:s15], [sflag:$0x2], $0x40, s9, s14, $0xb8;
	[tilespmem:$0x1F400] =	vst v63  }
0x11f: {  	_ =	swait.ge [sflag:s20], $0x2000  }
0x120: {  	[sflag:s20] =	ssyncset.done $0x0  }
0x121: {  	s9 =	rddreg [dreg:$0x13];
	[sflag:s20] =	ssyncadd.s32 $0xFFFFE000  }
0x122: {  	[spmem:s2] =	stream.indirect.scatter.add.f32 [tilespmem:s16], [sflag:$0x2], $0x40, s9, s14, $0xb8;
	[tilespmem:$0x1F400] =	vst v63  }
0x123: {  	_ =	swait.ge [sflag:s20], $0x2000  }
0x124: {  	[sflag:s20] =	ssyncset.done $0x0  }
0x125: {  	s9 =	rddreg [dreg:$0x14];
	[sflag:s20] =	ssyncadd.s32 $0xFFFFE000  }
0x126: {  	[spmem:s2] =	stream.indirect.scatter.add.f32 [tilespmem:s17], [sflag:$0x2], $0x40, s9, s14, $0xb8;
	[tilespmem:$0x1F400] =	vst v63  }
0x127: {  	_ =	swait.ge [sflag:s20], $0x2000  }
0x128: {  	[sflag:s20] =	ssyncset.done $0x0  }
0x129: {  	s9 =	rddreg [dreg:$0x15];
	[sflag:s20] =	ssyncadd.s32 $0xFFFFE000  }
0x12a: {  	[spmem:s2] =	stream.indirect.scatter.add.f32 [tilespmem:s18], [sflag:$0x2], $0x40, s9, s14, $0xb8;
	[tilespmem:$0x1F400] =	vst v63  }
0x12b: {  	_ =	swait.ge [sflag:s20], $0x2000  }
0x12c: {  	[sflag:s20] =	ssyncset.done $0x0  }
0x12d: {  	s9 =	rddreg [dreg:$0x16];
	[sflag:s20] =	ssyncadd.s32 $0xFFFFE000  }
0x12e: {  	[spmem:s2] =	stream.indirect.scatter.add.f32 [tilespmem:s19], [sflag:$0x2], $0x40, s9, s14, $0xb8;
	[tilespmem:$0x1F400] =	vst v63  }
0x12f: {  	_ =	swait.ge [sflag:s21], $0x2000  }
0x130: {  	[sflag:s21] =	ssyncset.done $0x0  }
0x131: {  	s9 =	rddreg [dreg:$0x17];
	[sflag:s21] =	ssyncadd.s32 $0xFFFFE000  }
0x132: {  	[tilespmem:s15], [sflag:$0x1] =	stream.indirect.gather [spmem:s3], $0x40, s9, s14, $0xb8;
	[tilespmem:$0x1F400] =	vst v63  }
0x133: {  	_ =	swait.ge [sflag:s21], $0x2000  }
0x134: {  	[sflag:s21] =	ssyncset.done $0x0  }
0x135: {  	s9 =	rddreg [dreg:$0x18];
	[sflag:s21] =	ssyncadd.s32 $0xFFFFE000  }
0x136: {  	[tilespmem:s16], [sflag:$0x1] =	stream.indirect.gather [spmem:s3], $0x40, s9, s14, $0xb8;
	[tilespmem:$0x1F400] =	vst v63  }
0x137: {  	_ =	swait.ge [sflag:s21], $0x2000  }
0x138: {  	[sflag:s21] =	ssyncset.done $0x0  }
0x139: {  	s9 =	rddreg [dreg:$0x19];
	[sflag:s21] =	ssyncadd.s32 $0xFFFFE000  }
0x13a: {  	[tilespmem:s17], [sflag:$0x1] =	stream.indirect.gather [spmem:s3], $0x40, s9, s14, $0xb8;
	[tilespmem:$0x1F400] =	vst v63  }
0x13b: {  	_ =	swait.ge [sflag:s21], $0x2000  }
0x13c: {  	[sflag:s21] =	ssyncset.done $0x0  }
0x13d: {  	s9 =	rddreg [dreg:$0x1a];
	[sflag:s21] =	ssyncadd.s32 $0xFFFFE000  }
0x13e: {  	[tilespmem:s18], [sflag:$0x1] =	stream.indirect.gather [spmem:s3], $0x40, s9, s14, $0xb8;
	[tilespmem:$0x1F400] =	vst v63  }
0x13f: {  	_ =	swait.ge [sflag:s21], $0x2000  }
0x140: {  	[sflag:s21] =	ssyncset.done $0x0  }
0x141: {  	s9 =	rddreg [dreg:$0x1b];
	[sflag:s21] =	ssyncadd.s32 $0xFFFFE000  }
0x142: {  	[tilespmem:s19], [sflag:$0x1] =	stream.indirect.gather [spmem:s3], $0x40, s9, s14, $0xb8;
	[tilespmem:$0x1F400] =	vst v63  }
0x143: {  	_ =	swait.ge [sflag:s20], $0x2000  }
0x144: {  	[sflag:s20] =	ssyncset.done $0x0  }
0x145: {  	s9 =	rddreg [dreg:$0x1c];
	[sflag:s20] =	ssyncadd.s32 $0xFFFFE000  }
0x146: {  	[spmem:s2] =	stream.indirect.scatter.add.f32 [tilespmem:s15], [sflag:$0x2], $0x40, s9, s14, $0xb8;
	[tilespmem:$0x1F400] =	vst v63  }
0x147: {  	_ =	swait.ge [sflag:s20], $0x2000  }
0x148: {  	[sflag:s20] =	ssyncset.done $0x0  }
0x149: {  	[sflag:s20] =	ssyncadd.s32 $0xFFFFE000  }
0x14a: {  	[spmem:s2] =	stream.indirect.scatter.add.f32 [tilespmem:s16], [sflag:$0x2], $0x40, s22, s14, $0xb8;
	[tilespmem:$0x1F400] =	vst v63  }
0x14b: {  	_ =	swait.ge [sflag:s20], $0x2000  }
0x14c: {  	[sflag:s20] =	ssyncset.done $0x0  }
0x14d: {  	[sflag:s20] =	ssyncadd.s32 $0xFFFFE000  }
0x14e: {  	[spmem:s2] =	stream.indirect.scatter.add.f32 [tilespmem:s17], [sflag:$0x2], $0x40, s23, s14, $0xb8;
	[tilespmem:$0x1F400] =	vst v63  }
0x14f: {  	_ =	swait.ge [sflag:s20], $0x2000  }
0x150: {  	[sflag:s20] =	ssyncset.done $0x0  }
0x151: {  	[sflag:s20] =	ssyncadd.s32 $0xFFFFE000  }
0x152: {  	[spmem:s2] =	stream.indirect.scatter.add.f32 [tilespmem:s18], [sflag:$0x2], $0x40, s24, s14, $0xb8;
	[tilespmem:$0x1F400] =	vst v63  }
0x153: {  	_ =	swait.ge [sflag:s20], $0x2000  }
0x154: {  	[sflag:s20] =	ssyncset.done $0x0  }
0x155: {  	[sflag:s20] =	ssyncadd.s32 $0xFFFFE000  }
0x156: {  	[spmem:s2] =	stream.indirect.scatter.add.f32 [tilespmem:s19], [sflag:$0x2], $0x40, s25, s14, $0xb8;
	[tilespmem:$0x1F400] =	vst v63  }
0x157: {  	_ =	swait.ge [sflag:s21], $0x2000  }
0x158: {  	[sflag:s21] =	ssyncset.done $0x0  }
0x159: {  	[sflag:s21] =	ssyncadd.s32 $0xFFFFE000  }
0x15a: {  	[tilespmem:s15], [sflag:$0x1] =	stream.indirect.gather [spmem:s3], $0x40, s26, s14, $0xb8;
	[tilespmem:$0x1F400] =	vst v63  }
0x15b: {  	_ =	swait.ge [sflag:s21], $0x2000  }
0x15c: {  	[sflag:s21] =	ssyncset.done $0x0  }
0x15d: {  	[sflag:s21] =	ssyncadd.s32 $0xFFFFE000  }
0x15e: {  	[tilespmem:s16], [sflag:$0x1] =	stream.indirect.gather [spmem:s3], $0x40, s28, s14, $0xb8;
	[tilespmem:$0x1F400] =	vst v63  }
0x15f: {  	_ =	swait.ge [sflag:s21], $0x2000  }
0x160: {  	[sflag:s21] =	ssyncset.done $0x0  }
0x161: {  	[sflag:s21] =	ssyncadd.s32 $0xFFFFE000  }
0x162: {  	[tilespmem:s17], [sflag:$0x1] =	stream.indirect.gather [spmem:s3], $0x40, s29, s14, $0xb8;
	[tilespmem:$0x1F400] =	vst v63  }
0x163: {  	_ =	swait.ge [sflag:s21], $0x2000  }
0x164: {  	[sflag:s21] =	ssyncset.done $0x0  }
0x165: {  	[sflag:s21] =	ssyncadd.s32 $0xFFFFE000  }
0x166: {  	[tilespmem:s18], [sflag:$0x1] =	stream.indirect.gather [spmem:s3], $0x40, s30, s14, $0xb8;
	[tilespmem:$0x1F400] =	vst v63  }
0x167: {  	_ =	swait.ge [sflag:s21], $0x2000  }
0x168: {  	[sflag:s21] =	ssyncset.done $0x0  }
0x169: {  	[sflag:s21] =	ssyncadd.s32 $0xFFFFE000  }
0x16a: {  	[tilespmem:s19], [sflag:$0x1] =	stream.indirect.gather [spmem:s3], $0x40, s31, s14, $0xb8;
	[tilespmem:$0x1F400] =	vst v63  }
0x16b: {  	_ =	swait.ge [sflag:s20], $0x2000  }
0x16c: {  	[sflag:s20] =	ssyncset.done $0x0  }
0x16d: {  	[sflag:s20] =	ssyncadd.s32 $0xFFFFE000  }
0x16e: {  	[spmem:s2] =	stream.indirect.scatter.add.f32 [tilespmem:s15], [sflag:$0x2], $0x40, s0, s14, $0xb8;
	[tilespmem:$0x1F400] =	vst v63  }
0x16f: {  	_ =	swait.ge [sflag:s20], $0x2000  }
0x170: {  	[sflag:s20] =	ssyncset.done $0x0  }
0x171: {  	[sflag:s20] =	ssyncadd.s32 $0xFFFFE000  }
0x172: {  	[spmem:s2] =	stream.indirect.scatter.add.f32 [tilespmem:s16], [sflag:$0x2], $0x40, s1, s14, $0xb8;
	[tilespmem:$0x1F400] =	vst v63  }
0x173: {  	_ =	swait.ge [sflag:s20], $0x2000  }
0x174: {  	[sflag:s20] =	ssyncset.done $0x0  }
0x175: {  	[sflag:s20] =	ssyncadd.s32 $0xFFFFE000  }
0x176: {  	[spmem:s2] =	stream.indirect.scatter.add.f32 [tilespmem:s17], [sflag:$0x2], $0x40, s5, s14, $0xb8;
	[tilespmem:$0x1F400] =	vst v63  }
0x177: {  	_ =	swait.ge [sflag:s20], $0x2000  }
0x178: {  	[sflag:s20] =	ssyncset.done $0x0  }
0x179: {  	[sflag:s20] =	ssyncadd.s32 $0xFFFFE000  }
0x17a: {  	[spmem:s2] =	stream.indirect.scatter.add.f32 [tilespmem:s18], [sflag:$0x2], $0x40, s7, s14, $0xb8;
	[tilespmem:$0x1F400] =	vst v63  }
0x17b: {  	_ =	swait.ge [sflag:s20], $0x2000  }
0x17c: {  	[sflag:s20] =	ssyncset.done $0x0  }
0x17d: {  	[sflag:s20] =	ssyncadd.s32 $0xFFFFE000  }
0x17e: {  	[spmem:s2] =	stream.indirect.scatter.add.f32 [tilespmem:s19], [sflag:$0x2], $0x40, s8, s14, $0xb8;
	[tilespmem:$0x1F400] =	vst v63  }
0x17f: {  	_ =	swait.ge [sflag:s21], $0x2000  }
0x180: {  	[sflag:s21] =	ssyncset.done $0x0  }
0x181: {  	[sflag:s21] =	ssyncadd.s32 $0xFFFFE000  }
0x182: {  	_ =	swait.ge [sflag:s21], $0x2000  }
0x183: {  	[sflag:s21] =	ssyncset.done $0x0  }
0x184: {  	[sflag:s21] =	ssyncadd.s32 $0xFFFFE000  }
0x185: {  	_ =	swait.ge [sflag:s21], $0x2000  }
0x186: {  	[sflag:s21] =	ssyncset.done $0x0  }
0x187: {  	p0 =	sne.s32 s10, $0x8C0;
	[sflag:s21] =	ssyncadd.s32 $0xFFFFE000  }
.Ltmp0:
0x188: {  	_ =	swait.ge [sflag:s21], $0x2000;
	(pc) =	sbr.rel @p0 .LBB2_2-.Ltmp0, $4  }
0x189: {  	[sflag:s21] =	ssyncset.done $0x0  }
0x18a: {  	[sflag:s21] =	ssyncadd.s32 $0xFFFFE000  }
0x18b: {  	_ =	swait.ge [sflag:s21], $0x2000  }
0x18c: {  	s10 =	sadd.s32 $0x140, s10;
	s6 =	rddreg [dreg:$0x5];
	[sflag:s21] =	ssyncset.done $0x0  }
0x18d: {  	[sflag:s21] =	ssyncadd.s32 $0xFFFFE000;
	s6 =	sadd.s32 s12, s6  }
0x18e: {  	[tilespmem:s4], [sflag:$0x3] =	stream.linear.gather [hbm4b:s6+s4], $0xA00, $0x38;
	[tilespmem:$0x1F400] =	vst v63  }
0x18f: {  	_ =	swait.ge [sflag:s11], $0xA00  }
0x190: {  	[sflag:s11] =	ssyncset.done $0x0  }
0x191: {  	s6 =	sadd.s32 $0xA000, s6;
	[sflag:s11] =	ssyncadd.s32 $0xFFFFF600  }
0x192: {  	[tilespmem:s13], [sflag:$0x3] =	stream.linear.gather [hbm4b:s6+s4], $0xA00, $0x38;
	[tilespmem:$0x1F400] =	vst v63  }
0x193: {  	_ =	swait.ge [sflag:s11], $0xA00  }
0x194: {  	[sflag:s11] =	ssyncset.done $0x0  }
0x195: {  	[sflag:s11] =	ssyncadd.s32 $0xFFFFF600  }
0x196: {  	[tilespmem:s15], [sflag:$0x1] =	stream.indirect.gather [spmem:s3], $0x40, s4, s14, $0xb8;
	[tilespmem:$0x1F400] =	vst v63  }
0x197: {  	_ = 	snop  }
0x198: {  	[tilespmem:s16], [sflag:$0x1] =	stream.indirect.gather [spmem:s3], $0x40, s14, s14, $0xb8;
	[tilespmem:$0x1F400] =	vst v63  }
0x199: {  	s10 =	rddreg [dreg:$0x6]  }
0x19a: {  	[tilespmem:s17], [sflag:$0x1] =	stream.indirect.gather [spmem:s3], $0x40, s10, s14, $0xb8;
	[tilespmem:$0x1F400] =	vst v63  }
0x19b: {  	s9 =	rddreg [dreg:$0x7]  }
0x19c: {  	[tilespmem:s18], [sflag:$0x1] =	stream.indirect.gather [spmem:s3], $0x40, s9, s14, $0xb8;
	[tilespmem:$0x1F400] =	vst v63  }
0x19d: {  	s12 =	rddreg [dreg:$0x8]  }
0x19e: {  	[tilespmem:s19], [sflag:$0x1] =	stream.indirect.gather [spmem:s3], $0x40, s12, s14, $0xb8;
	[tilespmem:$0x1F400] =	vst v63  }
0x19f: {  	_ =	swait.ge [sflag:s20], $0x2000  }
0x1a0: {  	[sflag:s20] =	ssyncset.done $0x0  }
0x1a1: {  	[sflag:s20] =	ssyncadd.s32 $0xFFFFE000  }
0x1a2: {  	[spmem:s2] =	stream.indirect.scatter.add.f32 [tilespmem:s15], [sflag:$0x2], $0x40, s13, s14, $0xb8;
	[tilespmem:$0x1F400] =	vst v63  }
0x1a3: {  	_ =	swait.ge [sflag:s20], $0x2000  }
0x1a4: {  	[sflag:s20] =	ssyncset.done $0x0  }
0x1a5: {  	s9 =	rddreg [dreg:$0x9];
	[sflag:s20] =	ssyncadd.s32 $0xFFFFE000  }
0x1a6: {  	[spmem:s2] =	stream.indirect.scatter.add.f32 [tilespmem:s16], [sflag:$0x2], $0x40, s9, s14, $0xb8;
	[tilespmem:$0x1F400] =	vst v63  }
0x1a7: {  	_ =	swait.ge [sflag:s20], $0x2000  }
0x1a8: {  	[sflag:s20] =	ssyncset.done $0x0  }
0x1a9: {  	s10 =	rddreg [dreg:$0xa];
	[sflag:s20] =	ssyncadd.s32 $0xFFFFE000  }
0x1aa: {  	[spmem:s2] =	stream.indirect.scatter.add.f32 [tilespmem:s17], [sflag:$0x2], $0x40, s10, s14, $0xb8;
	[tilespmem:$0x1F400] =	vst v63  }
0x1ab: {  	_ =	swait.ge [sflag:s20], $0x2000  }
0x1ac: {  	[sflag:s20] =	ssyncset.done $0x0  }
0x1ad: {  	s12 =	rddreg [dreg:$0xb];
	[sflag:s20] =	ssyncadd.s32 $0xFFFFE000  }
0x1ae: {  	[spmem:s2] =	stream.indirect.scatter.add.f32 [tilespmem:s18], [sflag:$0x2], $0x40, s12, s14, $0xb8;
	[tilespmem:$0x1F400] =	vst v63  }
0x1af: {  	_ =	swait.ge [sflag:s20], $0x2000  }
0x1b0: {  	[sflag:s20] =	ssyncset.done $0x0  }
0x1b1: {  	s9 =	rddreg [dreg:$0xc];
	[sflag:s20] =	ssyncadd.s32 $0xFFFFE000  }
0x1b2: {  	[spmem:s2] =	stream.indirect.scatter.add.f32 [tilespmem:s19], [sflag:$0x2], $0x40, s9, s14, $0xb8;
	[tilespmem:$0x1F400] =	vst v63  }
0x1b3: {  	_ =	swait.ge [sflag:s21], $0x2000  }
0x1b4: {  	[sflag:s21] =	ssyncset.done $0x0  }
0x1b5: {  	s10 =	rddreg [dreg:$0xd];
	[sflag:s21] =	ssyncadd.s32 $0xFFFFE000  }
0x1b6: {  	[tilespmem:s15], [sflag:$0x1] =	stream.indirect.gather [spmem:s3], $0x40, s10, s14, $0xb8;
	[tilespmem:$0x1F400] =	vst v63  }
0x1b7: {  	_ =	swait.ge [sflag:s21], $0x2000  }
0x1b8: {  	[sflag:s21] =	ssyncset.done $0x0  }
0x1b9: {  	s12 =	rddreg [dreg:$0xe];
	[sflag:s21] =	ssyncadd.s32 $0xFFFFE000  }
0x1ba: {  	[tilespmem:s16], [sflag:$0x1] =	stream.indirect.gather [spmem:s3], $0x40, s12, s14, $0xb8;
	[tilespmem:$0x1F400] =	vst v63  }
0x1bb: {  	_ =	swait.ge [sflag:s21], $0x2000  }
0x1bc: {  	[sflag:s21] =	ssyncset.done $0x0  }
0x1bd: {  	s9 =	rddreg [dreg:$0xf];
	[sflag:s21] =	ssyncadd.s32 $0xFFFFE000  }
0x1be: {  	[tilespmem:s17], [sflag:$0x1] =	stream.indirect.gather [spmem:s3], $0x40, s9, s14, $0xb8;
	[tilespmem:$0x1F400] =	vst v63  }
0x1bf: {  	_ =	swait.ge [sflag:s21], $0x2000  }
0x1c0: {  	[sflag:s21] =	ssyncset.done $0x0  }
0x1c1: {  	s10 =	rddreg [dreg:$0x10];
	[sflag:s21] =	ssyncadd.s32 $0xFFFFE000  }
0x1c2: {  	[tilespmem:s18], [sflag:$0x1] =	stream.indirect.gather [spmem:s3], $0x40, s10, s14, $0xb8;
	[tilespmem:$0x1F400] =	vst v63  }
0x1c3: {  	_ =	swait.ge [sflag:s21], $0x2000  }
0x1c4: {  	[sflag:s21] =	ssyncset.done $0x0  }
0x1c5: {  	s12 =	rddreg [dreg:$0x11];
	[sflag:s21] =	ssyncadd.s32 $0xFFFFE000  }
0x1c6: {  	[tilespmem:s19], [sflag:$0x1] =	stream.indirect.gather [spmem:s3], $0x40, s12, s14, $0xb8;
	[tilespmem:$0x1F400] =	vst v63  }
0x1c7: {  	_ =	swait.ge [sflag:s20], $0x2000  }
0x1c8: {  	[sflag:s20] =	ssyncset.done $0x0  }
0x1c9: {  	s9 =	rddreg [dreg:$0x12];
	[sflag:s20] =	ssyncadd.s32 $0xFFFFE000  }
0x1ca: {  	[spmem:s2] =	stream.indirect.scatter.add.f32 [tilespmem:s15], [sflag:$0x2], $0x40, s9, s14, $0xb8;
	[tilespmem:$0x1F400] =	vst v63  }
0x1cb: {  	_ =	swait.ge [sflag:s20], $0x2000  }
0x1cc: {  	[sflag:s20] =	ssyncset.done $0x0  }
0x1cd: {  	s10 =	rddreg [dreg:$0x13];
	[sflag:s20] =	ssyncadd.s32 $0xFFFFE000  }
0x1ce: {  	[spmem:s2] =	stream.indirect.scatter.add.f32 [tilespmem:s16], [sflag:$0x2], $0x40, s10, s14, $0xb8;
	[tilespmem:$0x1F400] =	vst v63  }
0x1cf: {  	_ =	swait.ge [sflag:s20], $0x2000  }
0x1d0: {  	[sflag:s20] =	ssyncset.done $0x0  }
0x1d1: {  	s12 =	rddreg [dreg:$0x14];
	[sflag:s20] =	ssyncadd.s32 $0xFFFFE000  }
0x1d2: {  	[spmem:s2] =	stream.indirect.scatter.add.f32 [tilespmem:s17], [sflag:$0x2], $0x40, s12, s14, $0xb8;
	[tilespmem:$0x1F400] =	vst v63  }
0x1d3: {  	_ =	swait.ge [sflag:s20], $0x2000  }
0x1d4: {  	[sflag:s20] =	ssyncset.done $0x0  }
0x1d5: {  	s9 =	rddreg [dreg:$0x15];
	[sflag:s20] =	ssyncadd.s32 $0xFFFFE000  }
0x1d6: {  	[spmem:s2] =	stream.indirect.scatter.add.f32 [tilespmem:s18], [sflag:$0x2], $0x40, s9, s14, $0xb8;
	[tilespmem:$0x1F400] =	vst v63  }
0x1d7: {  	_ =	swait.ge [sflag:s20], $0x2000  }
0x1d8: {  	[sflag:s20] =	ssyncset.done $0x0  }
0x1d9: {  	s10 =	rddreg [dreg:$0x16];
	[sflag:s20] =	ssyncadd.s32 $0xFFFFE000  }
0x1da: {  	[spmem:s2] =	stream.indirect.scatter.add.f32 [tilespmem:s19], [sflag:$0x2], $0x40, s10, s14, $0xb8;
	[tilespmem:$0x1F400] =	vst v63  }
0x1db: {  	_ =	swait.ge [sflag:s21], $0x2000  }
0x1dc: {  	[sflag:s21] =	ssyncset.done $0x0  }
0x1dd: {  	s12 =	rddreg [dreg:$0x17];
	[sflag:s21] =	ssyncadd.s32 $0xFFFFE000  }
0x1de: {  	[tilespmem:s15], [sflag:$0x1] =	stream.indirect.gather [spmem:s3], $0x40, s12, s14, $0xb8;
	[tilespmem:$0x1F400] =	vst v63  }
0x1df: {  	_ =	swait.ge [sflag:s21], $0x2000  }
0x1e0: {  	[sflag:s21] =	ssyncset.done $0x0  }
0x1e1: {  	s9 =	rddreg [dreg:$0x18];
	[sflag:s21] =	ssyncadd.s32 $0xFFFFE000  }
0x1e2: {  	[tilespmem:s16], [sflag:$0x1] =	stream.indirect.gather [spmem:s3], $0x40, s9, s14, $0xb8;
	[tilespmem:$0x1F400] =	vst v63  }
0x1e3: {  	_ =	swait.ge [sflag:s21], $0x2000  }
0x1e4: {  	[sflag:s21] =	ssyncset.done $0x0  }
0x1e5: {  	s10 =	rddreg [dreg:$0x19];
	[sflag:s21] =	ssyncadd.s32 $0xFFFFE000  }
0x1e6: {  	[tilespmem:s17], [sflag:$0x1] =	stream.indirect.gather [spmem:s3], $0x40, s10, s14, $0xb8;
	[tilespmem:$0x1F400] =	vst v63  }
0x1e7: {  	_ =	swait.ge [sflag:s21], $0x2000  }
0x1e8: {  	[sflag:s21] =	ssyncset.done $0x0  }
0x1e9: {  	s12 =	rddreg [dreg:$0x1a];
	[sflag:s21] =	ssyncadd.s32 $0xFFFFE000  }
0x1ea: {  	[tilespmem:s18], [sflag:$0x1] =	stream.indirect.gather [spmem:s3], $0x40, s12, s14, $0xb8;
	[tilespmem:$0x1F400] =	vst v63  }
0x1eb: {  	_ =	swait.ge [sflag:s21], $0x2000  }
0x1ec: {  	[sflag:s21] =	ssyncset.done $0x0  }
0x1ed: {  	s9 =	rddreg [dreg:$0x1b];
	[sflag:s21] =	ssyncadd.s32 $0xFFFFE000  }
0x1ee: {  	[tilespmem:s19], [sflag:$0x1] =	stream.indirect.gather [spmem:s3], $0x40, s9, s14, $0xb8;
	[tilespmem:$0x1F400] =	vst v63  }
0x1ef: {  	_ =	swait.ge [sflag:s20], $0x2000  }
0x1f0: {  	[sflag:s20] =	ssyncset.done $0x0  }
0x1f1: {  	s10 =	rddreg [dreg:$0x1c];
	[sflag:s20] =	ssyncadd.s32 $0xFFFFE000  }
0x1f2: {  	[spmem:s2] =	stream.indirect.scatter.add.f32 [tilespmem:s15], [sflag:$0x2], $0x40, s10, s14, $0xb8;
	[tilespmem:$0x1F400] =	vst v63  }
0x1f3: {  	_ =	swait.ge [sflag:s20], $0x2000  }
0x1f4: {  	[sflag:s20] =	ssyncset.done $0x0  }
0x1f5: {  	[sflag:s20] =	ssyncadd.s32 $0xFFFFE000  }
0x1f6: {  	[spmem:s2] =	stream.indirect.scatter.add.f32 [tilespmem:s16], [sflag:$0x2], $0x40, s22, s14, $0xb8;
	[tilespmem:$0x1F400] =	vst v63  }
0x1f7: {  	_ =	swait.ge [sflag:s20], $0x2000  }
0x1f8: {  	[sflag:s20] =	ssyncset.done $0x0  }
0x1f9: {  	[sflag:s20] =	ssyncadd.s32 $0xFFFFE000  }
0x1fa: {  	[spmem:s2] =	stream.indirect.scatter.add.f32 [tilespmem:s17], [sflag:$0x2], $0x40, s23, s14, $0xb8;
	[tilespmem:$0x1F400] =	vst v63  }
0x1fb: {  	_ =	swait.ge [sflag:s20], $0x2000  }
0x1fc: {  	[sflag:s20] =	ssyncset.done $0x0  }
0x1fd: {  	[sflag:s20] =	ssyncadd.s32 $0xFFFFE000  }
0x1fe: {  	[spmem:s2] =	stream.indirect.scatter.add.f32 [tilespmem:s18], [sflag:$0x2], $0x40, s24, s14, $0xb8;
	[tilespmem:$0x1F400] =	vst v63  }
0x1ff: {  	_ =	swait.ge [sflag:s20], $0x2000  }
0x200: {  	[sflag:s20] =	ssyncset.done $0x0  }
0x201: {  	[sflag:s20] =	ssyncadd.s32 $0xFFFFE000  }
0x202: {  	[spmem:s2] =	stream.indirect.scatter.add.f32 [tilespmem:s19], [sflag:$0x2], $0x40, s25, s14, $0xb8;
	[tilespmem:$0x1F400] =	vst v63  }
0x203: {  	_ =	swait.ge [sflag:s21], $0x2000  }
0x204: {  	[sflag:s21] =	ssyncset.done $0x0  }
0x205: {  	[sflag:s21] =	ssyncadd.s32 $0xFFFFE000  }
0x206: {  	[tilespmem:s15], [sflag:$0x1] =	stream.indirect.gather [spmem:s3], $0x40, s26, s14, $0xb8;
	[tilespmem:$0x1F400] =	vst v63  }
0x207: {  	_ =	swait.ge [sflag:s21], $0x2000  }
0x208: {  	[sflag:s21] =	ssyncset.done $0x0  }
0x209: {  	[sflag:s21] =	ssyncadd.s32 $0xFFFFE000  }
0x20a: {  	[tilespmem:s16], [sflag:$0x1] =	stream.indirect.gather [spmem:s3], $0x40, s28, s14, $0xb8;
	[tilespmem:$0x1F400] =	vst v63  }
0x20b: {  	_ =	swait.ge [sflag:s21], $0x2000  }
0x20c: {  	[sflag:s21] =	ssyncset.done $0x0  }
0x20d: {  	[sflag:s21] =	ssyncadd.s32 $0xFFFFE000  }
0x20e: {  	[tilespmem:s17], [sflag:$0x1] =	stream.indirect.gather [spmem:s3], $0x40, s29, s14, $0xb8;
	[tilespmem:$0x1F400] =	vst v63  }
0x20f: {  	_ =	swait.ge [sflag:s21], $0x2000  }
0x210: {  	[sflag:s21] =	ssyncset.done $0x0  }
0x211: {  	[sflag:s21] =	ssyncadd.s32 $0xFFFFE000  }
0x212: {  	[tilespmem:s18], [sflag:$0x1] =	stream.indirect.gather [spmem:s3], $0x40, s30, s14, $0xb8;
	[tilespmem:$0x1F400] =	vst v63  }
0x213: {  	_ =	swait.ge [sflag:s21], $0x2000  }
0x214: {  	[sflag:s21] =	ssyncset.done $0x0  }
0x215: {  	[sflag:s21] =	ssyncadd.s32 $0xFFFFE000  }
0x216: {  	[tilespmem:s19], [sflag:$0x1] =	stream.indirect.gather [spmem:s3], $0x40, s31, s14, $0xb8;
	[tilespmem:$0x1F400] =	vst v63  }
0x217: {  	_ =	swait.ge [sflag:s20], $0x2000  }
0x218: {  	[sflag:s20] =	ssyncset.done $0x0  }
0x219: {  	[sflag:s20] =	ssyncadd.s32 $0xFFFFE000  }
0x21a: {  	[spmem:s2] =	stream.indirect.scatter.add.f32 [tilespmem:s15], [sflag:$0x2], $0x40, s0, s14, $0xb8;
	[tilespmem:$0x1F400] =	vst v63  }
0x21b: {  	_ =	swait.ge [sflag:s20], $0x2000  }
0x21c: {  	[sflag:s20] =	ssyncset.done $0x0  }
0x21d: {  	[sflag:s20] =	ssyncadd.s32 $0xFFFFE000  }
0x21e: {  	[spmem:s2] =	stream.indirect.scatter.add.f32 [tilespmem:s16], [sflag:$0x2], $0x40, s1, s14, $0xb8;
	[tilespmem:$0x1F400] =	vst v63  }
0x21f: {  	_ =	swait.ge [sflag:s20], $0x2000  }
0x220: {  	[sflag:s20] =	ssyncset.done $0x0  }
0x221: {  	[sflag:s20] =	ssyncadd.s32 $0xFFFFE000  }
0x222: {  	[spmem:s2] =	stream.indirect.scatter.add.f32 [tilespmem:s17], [sflag:$0x2], $0x40, s5, s14, $0xb8;
	[tilespmem:$0x1F400] =	vst v63  }
0x223: {  	_ =	swait.ge [sflag:s20], $0x2000  }
0x224: {  	[sflag:s20] =	ssyncset.done $0x0  }
0x225: {  	[sflag:s20] =	ssyncadd.s32 $0xFFFFE000  }
0x226: {  	[spmem:s2] =	stream.indirect.scatter.add.f32 [tilespmem:s18], [sflag:$0x2], $0x40, s7, s14, $0xb8;
	[tilespmem:$0x1F400] =	vst v63  }
0x227: {  	_ =	swait.ge [sflag:s20], $0x2000  }
0x228: {  	[sflag:s20] =	ssyncset.done $0x0  }
0x229: {  	[sflag:s20] =	ssyncadd.s32 $0xFFFFE000  }
0x22a: {  	[spmem:s2] =	stream.indirect.scatter.add.f32 [tilespmem:s19], [sflag:$0x2], $0x40, s8, s14, $0xb8;
	[tilespmem:$0x1F400] =	vst v63  }
0x22b: {  	_ =	swait.ge [sflag:s21], $0x2000  }
0x22c: {  	[sflag:s21] =	ssyncset.done $0x0  }
0x22d: {  	[sflag:s21] =	ssyncadd.s32 $0xFFFFE000  }
0x22e: {  	_ =	swait.ge [sflag:s21], $0x2000  }
0x22f: {  	[sflag:s21] =	ssyncset.done $0x0  }
0x230: {  	[sflag:s21] =	ssyncadd.s32 $0xFFFFE000  }
0x231: {  	_ =	swait.ge [sflag:s21], $0x2000  }
0x232: {  	[sflag:s21] =	ssyncset.done $0x0  }
0x233: {  	[sflag:s21] =	ssyncadd.s32 $0xFFFFE000  }
0x234: {  	_ =	swait.ge [sflag:s21], $0x2000  }
0x235: {  	[sflag:s21] =	ssyncset.done $0x0  }
0x236: {  	[sflag:s21] =	ssyncadd.s32 $0xFFFFE000  }
0x237: {  	_ =	swait.ge [sflag:s21], $0x2000  }
0x238: {  	[sflag:s21] =	ssyncset.done $0x0  }
0x239: {  	[sflag:s21] =	ssyncadd.s32 $0xFFFFE000  }
0x23a: {  	[bflag:$0x0] =	sbarrier.arrive $0xFFFF  }
0x23b: {  	s12 =	sld [smem:$0x7FA]  }
0x23c: {  	s10 =	sld [smem:$0x7FD];
	_ =	sdelay $0x1  }
0x23d: {  	s9 =	rddreg [dreg:$0x1e]  }
0x23e: {  	[hbm:s12], [sflag:s9] =	dma.local [spmem:s10], $0x1400  }
0x23f: {  	_ =	swait.ge [sflag:s11], $0x1400  }
0x240: {  	s6 =	sld [smem:$0x7F9];
	_ =	sdelay $0x2  }
0x241: {  	s12 =	sadd.s32 $0x1, s6;
	s6 =	sld [smem:$0x7FB];
	_ =	sdelay $0x2  }
0x242: {  	p0 =	sne.s32 s12, s6  }
.Ltmp1:
0x243: {  	_ = 	snop;
	(pc) =	sbr.rel @p0 .LBB2_1-.Ltmp1, $3  }
0x244: {  	_ =	sdelay $0x1  }
0x245: {  	[sflag:s11] =	ssyncset.done $0x0  }
0x246: {  	[sflag:s11] =	ssyncadd.s32 $0xFFFFEC00  }
0x247: {  	_ =	sfence.sel $0x180000  }
0x248: {  	[bflag:$0x0] =	sbarrier.arrive $0xFFFF  }
0x249: {  	_ =	strace $0x9000004A  }
0x24a: {  	s0 =	stileid.u32;
	[bflag:$0x2] =	sbarrier.arrive $0xFFFF  }
0x24b: {  	p0 =	sne.s32 s0, $0x0;
	s0 =	rddreg [dreg:$0x4]  }
0x24c: {  	s0 =	sadd.s32 @!p0 $0x100000, s0  }
0x24d: {  	[sflag:s0] =	ssyncadd.tile.s32 @!p0 $0x1;
	_ =	shalt  }
.Lfunc_end2:
_tile_overlayer_lowered:
.L_overlay_start_2:
0x24e: {  	(tag) =	ssettag $0x2  }
0x24f: {  	s0 =	rddreg [dreg:$0x0];
	s2 =	stileid.u32  }
0x250: {  	s1 =	rddreg [dreg:$0x1];
	p0 =	sne.s32 s2, $0x0  }
0x251: {  	s3 =	rddreg [dreg:$0x2];
	[bflag:$0x3] =	sbarrier.arrive $0xFFFF;
	s2 =	simm.s32 @!p0 $0x1C03  }
0x252: {  	[timem:s3], [sflag:s2] =	dma.local @!p0 [hbm:s0], s1  }
0x253: {  	s0 =	simm.s32 @!p0 $0x3  }
0x254: {  	_ =	swait.ge @!p0 [sflag:s0], s1  }
0x255: {  	s1 =	ssub.s32 @!p0 $0x0, s1;
	[sflag:s0] =	ssyncset.done @!p0 $0x0  }
0x256: {  	[sflag:s0] =	ssyncadd.s32 @!p0 s1  }
0x257: {  	[bflag:$0x3] =	sbarrier.arrive $0xFFFF  }
0x258: {  	_ =	shalt  }

// kernel: kernel.7.cloned.1.call-start
scs
__scs_entry_jumppad:
0x0: {  	(pc) =	sbr.rel $0x88, $3  }
0x1: {  	(tag) =	ssettag $0x0;
	lr =	simm.s32 $0x1  }
0x2: {  	[smem:$0x3F9B] =	sst lr;
	_ =	strace $0xD0000000  }
0x3: {  	_ = 	snop  }
0x4: {  	_ = 	snop  }
0x5: {  	_ = 	snop  }
0x6: {  	_ = 	snop  }
0x7: {  	_ = 	snop  }
__scs_overlays_trampoline_lowered:
0x8: {  	[smem:$0x3FAA] =	sst s0  }
0x9: {  	[smem:$0x3FAB] =	sst s1  }
0xa: {  	[smem:$0x3FAC] =	sst s2  }
0xb: {  	[smem:$0x3FAD] =	sst s3  }
0xc: {  	[smem:$0x3FAE] =	sst s4  }
0xd: {  	[smem:$0x3FAF] =	sst s5  }
0xe: {  	[smem:$0x3FB0] =	sst s6  }
0xf: {  	[smem:$0x3FB1] =	sst s7  }
0x10: {  	[smem:$0x3FB2] =	sst s8  }
0x11: {  	[smem:$0x3FB3] =	sst s9;
	s0 =	simm.s32 @!p0 $0x0  }
0x12: {  	s1 =	sld [smem:$0x3F99];
	s0 =	simm.s32 @p0 $0x1  }
0x13: {  	[smem:$0x3FB4] =	sst s0;
	s0 =	simm.s32 @!p1 $0x0  }
0x14: {  	s2 =	sld [smem:$0x3F98];
	s0 =	simm.s32 @p1 $0x1  }
0x15: {  	[smem:$0x3FB5] =	sst s0;
	s0 =	simm.s32 @!p2 $0x0  }
0x16: {  	s3 =	sld [smem:$0x3FDB];
	s0 =	simm.s32 @p2 $0x1  }
0x17: {  	s4 =	simm.s32 $0x1BF5;
	[smem:$0x3FB7] =	sst s0  }
0x18: {  	s0 =	sld [smem:$0x3F9A];
	_ =	swait.ge [sflag:s4], $0x0  }
0x19: {  	s7 =	sld [smem:$0x3F9B]  }
0x1a: {  	s8 =	sadd.s32 $0xFFFFE003, lr  }
0x1b: {  	s9 =	sadd.s32 $0xFFFFFEF7, lr;
	s5 =	simm.s32 $0xFFFFFFFF;
	p2 =	slt.u32 s8, $0xFFFFF086  }
0x1c: {  	p1 =	slt.u32 s9, $0xF7A;
	s5 =	simm.s32 @!p2 $0x0  }
0x1d: {  	s5 =	simm.s32 @p1 $0x1;
	p0 =	seq.s32 s7, s2  }
0x1e: {  	s7 =	smul.u32 @!p0 $0xF7A, s2;
	p2 =	seq.s32 @!p0 s5, $0x0  }
0x1f: {  	s9 =	smul.u32 $0xF7A, s1;
	s8 =	simm.s32 @!p0 $0x1BF5;
	p2 =	por !p2, p0  }
0x20: {  	[sflag:s8] =	ssyncset.s32 @!p0 $0xFFFFF086;
	s6 =	sadd.s32 @!p0 s3, s7;
	s7 =	simm.s32 @!p0 $0x108  }
0x21: {  	s3 =	sadd.s32 s3, s9;
	s6 =	sadd.s32 @!p0 $0x88, s6;
	s7 =	simm.s32 @p2 $0x1082  }
0x22: {  	[simem:s7], [sflag:s8] =	dma.local @!p0 [hbm:s6], $0xF7A  }
0x23: {  	s9 =	sor.u32 $0xD0000000, s2;
	s6 =	simm.s32 $0x108;
	_ =	swait.ge @!p0 [sflag:s8], $0x0  }
0x24: {  	s3 =	sadd.s32 $0x88, s3;
	s6 =	simm.s32 @!p1 $0x1082;
	[sflag:s4] =	ssyncset.s32 $0xFFFFF086  }
0x25: {  	[simem:s6], [sflag:s4] =	dma.local [hbm:s3], $0xF7A  }
0x26: {  	[smem:$0x3F9B] =	sst s1;
	(tag) =	ssettag s2;
	_ =	strace s9  }
0x27: {  	s1 =	sld [smem:$0x3FAB]  }
0x28: {  	s2 =	sld [smem:$0x3FAC]  }
0x29: {  	s4 =	sld [smem:$0x3FAE]  }
0x2a: {  	p0 =	seq.s32 s5, $0x0;
	s5 =	sld [smem:$0x3FAF]  }
0x2b: {  	s6 =	sld [smem:$0x3FB0]  }
0x2c: {  	s7 =	sld [smem:$0x3FB1]  }
0x2d: {  	s3 =	simm.s32 $0x108;
	s8 =	sld [smem:$0x3FB2]  }
0x2e: {  	s3 =	simm.s32 @!p0 $0x1082;
	s9 =	sld [smem:$0x3FB3]  }
0x2f: {  	lr =	sadd.s32 s0, s3;
	s0 =	sld [smem:$0x3FAA]  }
0x30: {  	s3 =	sld [smem:$0x3FAD]  }
0x31: {  	[smem:$0x3FB6] =	sst s10  }
0x32: {  	s10 =	sld [smem:$0x3FB4];
	_ =	sdelay $0x3  }
0x33: {  	p0 =	seq.s32 s10, $0x1;
	s10 =	sld [smem:$0x3FB6];
	_ =	sdelay $0x3  }
0x34: {  	[smem:$0x3FB6] =	sst s10  }
0x35: {  	s10 =	sld [smem:$0x3FB5];
	_ =	sdelay $0x3  }
0x36: {  	p1 =	seq.s32 s10, $0x1;
	s10 =	sld [smem:$0x3FB6];
	_ =	sdelay $0x3  }
0x37: {  	[smem:$0x3FB6] =	sst s10  }
0x38: {  	s10 =	sld [smem:$0x3FB7]  }
0x39: {  	_ = 	snop;
	(pc) =	sbr.ind lr, $3  }
0x3a: {  	_ = 	snop  }
0x3b: {  	_ = 	snop  }
0x3c: {  	p2 =	seq.s32 s10, $0x1;
	s10 =	sld [smem:$0x3FB6]  }
0x3d: {  	_ =	shalt  }
0x3e: {  	_ =	shalt  }
0x3f: {  	_ =	shalt  }
0x40: {  	_ =	shalt  }
0x41: {  	_ =	shalt  }
0x42: {  	_ =	shalt  }
0x43: {  	_ =	shalt  }
0x44: {  	_ =	shalt  }
0x45: {  	_ =	shalt  }
0x46: {  	_ =	shalt  }
0x47: {  	_ =	shalt  }
0x48: {  	_ =	shalt  }
0x49: {  	_ =	shalt  }
0x4a: {  	_ =	shalt  }
0x4b: {  	_ =	shalt  }
0x4c: {  	_ =	shalt  }
0x4d: {  	_ =	shalt  }
0x4e: {  	_ =	shalt  }
0x4f: {  	_ =	shalt  }
0x50: {  	_ =	shalt  }
0x51: {  	_ =	shalt  }
0x52: {  	_ =	shalt  }
0x53: {  	_ =	shalt  }
0x54: {  	_ =	shalt  }
0x55: {  	_ =	shalt  }
0x56: {  	_ =	shalt  }
0x57: {  	_ =	shalt  }
0x58: {  	_ =	shalt  }
0x59: {  	_ =	shalt  }
0x5a: {  	_ =	shalt  }
0x5b: {  	_ =	shalt  }
0x5c: {  	_ =	shalt  }
0x5d: {  	_ =	shalt  }
0x5e: {  	_ =	shalt  }
0x5f: {  	_ =	shalt  }
0x60: {  	_ =	shalt  }
0x61: {  	_ =	shalt  }
0x62: {  	_ =	shalt  }
0x63: {  	_ =	shalt  }
0x64: {  	_ =	shalt  }
0x65: {  	_ =	shalt  }
0x66: {  	_ =	shalt  }
0x67: {  	_ =	shalt  }
0x68: {  	_ =	shalt  }
0x69: {  	_ =	shalt  }
0x6a: {  	_ =	shalt  }
0x6b: {  	_ =	shalt  }
0x6c: {  	_ =	shalt  }
0x6d: {  	_ =	shalt  }
0x6e: {  	_ =	shalt  }
0x6f: {  	_ =	shalt  }
0x70: {  	_ =	shalt  }
0x71: {  	_ =	shalt  }
0x72: {  	_ =	shalt  }
0x73: {  	_ =	shalt  }
0x74: {  	_ =	shalt  }
0x75: {  	_ =	shalt  }
0x76: {  	_ =	shalt  }
0x77: {  	_ =	shalt  }
0x78: {  	_ =	shalt  }
0x79: {  	_ =	shalt  }
0x7a: {  	_ =	shalt  }
0x7b: {  	_ =	shalt  }
0x7c: {  	_ =	shalt  }
0x7d: {  	_ =	shalt  }
0x7e: {  	_ =	shalt  }
0x7f: {  	_ =	shalt  }
0x80: {  	_ =	shalt  }
0x81: {  	_ =	shalt  }
0x82: {  	_ =	shalt  }
0x83: {  	_ =	shalt  }
0x84: {  	_ =	shalt  }
0x85: {  	_ =	shalt  }
0x86: {  	_ =	shalt  }
0x87: {  	_ =	shalt  }
.Lfunc_end0:
.L_simem_size_0:
called_computation_lowered:
.L_overlay_start_0:
0x88: {  	s2 =	sld [smem:$0x3FD9]  }
0x89: {  	s3 =	sld [smem:$0x3FFE];
	_ =	sdelay $0x1  }
0x8a: {  	s1 =	srdreg.scid  }
0x8b: {  	s0 =	sand.u32 $0x1, s1  }
0x8c: {  	s17 =	sshll.u32 s0, $0xA;
	s2 =	sadd.s32 s3, s2  }
0x8d: {  	s2 =	sadd.s32 s2, s17  }
0x8e: {  	[smem:$0x3FC2] =	sst s2  }
0x8f: {  	_ = 	snop  }
0x90: {  	s2 =	sld [smem:$0x3FD0];
	(tm) =	ssettm $0x1  }
0x91: {  	s18 =	sld [smem:$0x3FFB];
	_ =	sdelay $0x3  }
0x92: {  	_ =	strace s18  }
0x93: {  	s3 =	sld [smem:$0x3FFC];
	_ =	sdelay $0x3  }
0x94: {  	_ =	strace s3  }
0x95: {  	s3 =	sld [smem:$0x3FFD];
	_ =	sdelay $0x3  }
0x96: {  	_ =	strace s3  }
0x97: {  	_ =	strace $0x8FFFFFFF  }
0x98: {  	s19 =	sld [smem:$0x3FDB];
	_ =	sdelay $0x1  }
0x99: {  	s4 =	simm.s32 $_scs_section_size  }
0x9a: {  	s5 =	simm.s32 $_size__tile_overlayer_lowered;
	s6 =	simm.s32 $_tile_overlayer_lowered  }
0x9b: {  	s22 =	simm.s32 $0x1BFF;
	s21 =	sshll.u32 s6, $0x1;
	s3 =	sadd.s32 s4, s19  }
0x9c: {  	s7 =	simm.s32 $0x0;
	s20 =	sshll.u32 s5, $0x1;
	s5 =	sadd.s32 s21, s3  }
0x9d: {  	[timem:s7], [sflag:s22] =	dma.local [hbm:s5], s20  }
0x9e: {  	_ =	swait.ge [sflag:s22], s20  }
0x9f: {  	s4 =	ssub.s32 $0x0, s20;
	[sflag:s22] =	ssyncset.done $0x0  }
0xa0: {  	[sflag:s22] =	ssyncadd.s32 s4;
	_ =	sdelay $0x1  }
0xa1: {  	s23 =	simm.s32 $0x1B8B  }
0xa2: {  	_ =	swait.ge [sflag:s23], $0x1  }
0xa3: {  	[sflag:s23] =	ssyncset.done $0x0  }
0xa4: {  	s25 =	simm.s32 $0x1B8E;
	s24 =	sld [smem:$0x3FFE];
	[sflag:s23] =	ssyncadd.s32 $0xFFFFFFFF  }
0xa5: {  	s26 =	simm.s32 $execute0_lowered;
	[smem:$0x3FD2] =	sst s25  }
0xa6: {  	s5 =	sshll.u32 s26, $0x1;
	_ =	strace $0x80000046;
	[dreg:$0x1] =	wrdreg $0xFFFFFFFF  }
0xa7: {  	s28 =	simm.s32 $_size_execute0_lowered;
	s3 =	sadd.s32 s3, s5;
	[dreg:$0x0] =	wrdreg $0x0  }
0xa8: {  	s5 =	sshll.u32 s28, $0x1;
	[dreg:$0x2] =	wrdreg s3  }
0xa9: {  	[dreg:$0x3] =	wrdreg s5  }
0xaa: {  	[dreg:$0x4] =	wrdreg $0xC0  }
0xab: {  	_ =	task [dreg:s7], $0x5FFFF  }
0xac: {  	[dreg:$0x1] =	wrdreg $0xFFFFFFFF  }
0xad: {  	[dreg:$0x0] =	wrdreg $0x60  }
0xae: {  	[dreg:$0x2] =	wrdreg s2  }
0xaf: {  	[dreg:$0x3] =	wrdreg s24  }
0xb0: {  	[dreg:$0x4] =	wrdreg $0x58000  }
0xb1: {  	[dreg:$0x5] =	wrdreg $0x9  }
0xb2: {  	_ =	task.clear_ibuf [dreg:s7], $0x6FFFF;
	_ =	strace $0x90000046  }
0xb3: {  	s29 =	simm.s32 $0x9;
	_ =	strace $0x80000048  }
0xb4: {  	_ =	swait.ge [sflag:s29], $0x1  }
0xb5: {  	[sflag:s29] =	ssyncadd.s32 $0xFFFFFFFF  }
0xb6: {  	_ =	strace $0x90000048  }
0xb7: {  	_ =	sfence  }
0xb8: {  	s30 =	sld [smem:$0x0];
	_ =	sdelay $0x2  }
0xb9: {  	s31 =	sshll.u32 s1, $0xD;
	s1 =	sshrl.u32 s1, $0x2  }
0xba: {  	s3 =	sand.u32 $0x4000, s31;
	s1 =	sadd.s32 s1, s30  }
0xbb: {  	s0 =	sor.u32 s3, s0;
	s1 =	sshll.u32 s1, $0x11  }
0xbc: {  	s0 =	sor.u32 s1, s0  }
0xbd: {  	s0 =	sadd.s32 $0x8F2B, s0  }
0xbe: {  	[sflag:s0] =	ssyncadd.remote.s32 $0x1  }
0xbf: {  	_ =	sfence.sel $0xFFFF  }
0xc0: {  	[dreg:$0x0] =	wrdreg $0xFFFFFFFF;
	(pc) =	sbr.abs _section_cstart, $3  }
0xc1: {  	[dreg:$0x1] =	wrdreg $0xFFFFFFFF  }
0xc2: {  	_ =	task.clear_ibuf [dreg:s7], $0x2FFFF;
	_ =	strace $0x9FFFFFFF  }
0xc3: {  	(tm) =	ssettm $0x7FFFFFFF  }
tec
execute0_lowered:
.L_overlay_start_1:
0x0: {  	(tag) =	ssettag $0x1  }
0x1: {  	s6 =	rddreg [dreg:$0x0]  }
0x2: {  	s7 =	rddreg [dreg:$0x1];
	s1 =	srdreg.scid  }
0x3: {  	s0 =	stileid.u32;
	s2 =	rddreg [dreg:$0x2];
	s3 =	simm.s32 $0x0  }
0x4: {  	s14 =	simm.s32 $0x1;
	s15 =	simm.s32 $0x0;
	s9 =	smul.u32 $0x2800, s0  }
0x5: {  	s8 =	sand.u32 $0x1, s1;
	s1 =	rddreg [dreg:$0x3];
	s12 =	smul.u32 $0x5000, s0  }
0x6: {  	[smem:$0x7FF] =	sst s3;
	s4 =	sadd.s32 $0x1A00, s7;
	s10 =	smul.u32 $0x28000, s8  }
0x7: {  	s5 =	sadd.s32 $0x1C00, s7;
	s11 =	smul.u32 $0x50000, s8;
	s8 =	ssub.s32 $0x2, s8  }
0x8: {  	s31 =	sshll.u32 s0, $0x6;
	_ =	strace $0x80000047;
	s13 =	sshrl.u32 s8, $0x1  }
0x9: {  	s30 =	sadd.s32 s9, s2;
	s10 =	sadd.s32 s9, s10;
	s11 =	sadd.s32 s12, s11  }
0xa: {  	s8 =	ssub.s32 s8, s13;
	s9 =	simm.s32 $0x5000;
	s12 =	sshrl.u32 s30, $0x3  }
0xb: {  	s13 =	simm.s32 $0x80;
	s10 =	sshrl.u32 s10, $0x3;
	s29 =	sshrl.u32 s11, $0x3  }
0xc: {  	s8 =	smax.u32 s8, $0x1;
	s11 =	sor.u32 $0x1C02, s31;
	s7 =	sadd.s32 s10, s7  }
0xd: {  	s6 =	sadd.s32 s6, s29;
	s10 =	simm.s32 $0x2;
	s7 =	sadd.s32 $0x2200, s7  }
.LBB2_1:
0xe: {  	[tilespmem:s9], [sflag:$0x2] =	stream.linear.gather [hbm4b:s4+s3], $0x800, $0x38;
	[tilespmem:$0x8000] =	vst v63  }
0xf: {  	_ =	swait.ge [sflag:s10], $0x800  }
0x10: {  	[sflag:s10] =	ssyncset.done $0x0  }
0x11: {  	[sflag:s10] =	ssyncadd.s32 $0xFFFFF800  }
0x12: {  	[spmem:s12], [sflag:s11] =	dma.local [hbm:s5], $0x500  }
0x13: {  	_ =	swait.ge [sflag:s10], $0x500  }
0x14: {  	[sflag:s10] =	ssyncset.done $0x0  }
0x15: {  	[sflag:s10] =	ssyncadd.s32 $0xFFFFFB00  }
0x16: {  	[tilespmem:s3], [sflag:$0x2] =	stream.linear.gather [hbm4b:s6+s3], $0x5000, $0x38;
	[tilespmem:$0x8000] =	vst v63  }
0x17: {  	_ =	swait.ge [sflag:s10], $0x5000  }
0x18: {  	[sflag:s10] =	ssyncset.done $0x0  }
0x19: {  	[sflag:s10] =	ssyncadd.s32 $0xFFFFB000  }
0x1a: {  	s16 =	simm.s32 $0x0;
	[bflag:$0x0] =	sbarrier.arrive $0xFFFF  }
.LBB2_2:
0x1b: {  	p0 =	sne.s32 s16, $0x13E00  }
.Ltmp0:
0x1c: {  	_ = 	snop;
	(pc) =	sbr.rel @p0 .LBB2_2-.Ltmp0, $3  }
0x1d: {  	_ =	sdelay $0x1  }
0x1e: {  	s17 =	sshra.s32 s16, $0x2;
	s16 =	sadd.s32 $0x200, s16  }
0x1f: {  	[spmem:s2] =	stream.indirect.scatter.add.f32 [tilespmem:s9], [sflag:$0x1], $0x10, s17, s13, $0xb8;
	[tilespmem:$0x8000] =	vst v63  }
0x20: {  	_ =	swait.ge [sflag:s14], $0x800  }
0x21: {  	s16 =	simm.s32 $0x9F;
	[sflag:s14] =	ssyncset.done $0x0  }
.LBB2_4:
0x22: {  	p0 =	sne.s32 s16, $0x1;
	s16 =	sadd.s32 $0xFFFFFFFF, s16;
	[sflag:s14] =	ssyncadd.s32 $0xFFFFF800  }
.Ltmp1:
0x23: {  	(pc) =	sbr.rel @p0 .LBB2_4-.Ltmp1, $3  }
0x24: {  	_ =	sdelay $0x1  }
0x25: {  	_ =	swait.ge [sflag:s14], $0x800  }
0x26: {  	[sflag:s14] =	ssyncset.done $0x0  }
0x27: {  	s15 =	sadd.s32 $0x1, s15  }
0x28: {  	[sflag:s14] =	ssyncadd.s32 $0xFFFFF800;
	p0 =	sne.s32 s15, s8  }
.Ltmp2:
0x29: {  	[bflag:$0x0] =	sbarrier.arrive $0xFFFF;
	(pc) =	sbr.rel @p0 .LBB2_1-.Ltmp2, $4  }
0x2a: {  	[hbm:s7], [sflag:s11] =	dma.local [spmem:s12], $0x500  }
0x2b: {  	_ =	swait.ge [sflag:s10], $0x500  }
0x2c: {  	[sflag:s10] =	ssyncset.done $0x0  }
0x2d: {  	[sflag:s10] =	ssyncadd.s32 $0xFFFFFB00  }
0x2e: {  	_ =	sfence.sel $0x180000  }
0x2f: {  	[bflag:$0x0] =	sbarrier.arrive $0xFFFF  }
0x30: {  	p0 =	sne.s32 s0, $0x0;
	_ =	strace $0x90000047  }
0x31: {  	s0 =	sadd.s32 @!p0 $0x100000, s1;
	[bflag:$0x2] =	sbarrier.arrive $0xFFFF  }
0x32: {  	[sflag:s0] =	ssyncadd.tile.s32 @!p0 $0x1;
	_ =	shalt  }
.Lfunc_end2:
_tile_overlayer_lowered:
.L_overlay_start_2:
0x33: {  	(tag) =	ssettag $0x2  }
0x34: {  	s0 =	rddreg [dreg:$0x0];
	s2 =	stileid.u32  }
0x35: {  	s1 =	rddreg [dreg:$0x1];
	p0 =	sne.s32 s2, $0x0  }
0x36: {  	s3 =	rddreg [dreg:$0x2];
	[bflag:$0x3] =	sbarrier.arrive $0xFFFF;
	s2 =	simm.s32 @!p0 $0x1C02  }
0x37: {  	[timem:s3], [sflag:s2] =	dma.local @!p0 [hbm:s0], s1  }
0x38: {  	s0 =	simm.s32 @!p0 $0x2  }
0x39: {  	_ =	swait.ge @!p0 [sflag:s0], s1  }
0x3a: {  	s1 =	ssub.s32 @!p0 $0x0, s1;
	[sflag:s0] =	ssyncset.done @!p0 $0x0  }
0x3b: {  	[sflag:s0] =	ssyncadd.s32 @!p0 s1  }
0x3c: {  	[bflag:$0x3] =	sbarrier.arrive $0xFFFF  }
0x3d: {  	_ =	shalt  }

</sc_bundles>
